<compile_context>
chip_gen: v7x
topology: tpu7x:2x2x1
jax: 0.10.2.dev20260603
libtpu: 0.0.44.dev20260713+nightly
codegen_flags: <defaults>
</compile_context>

<pallas_src>
import jax
import jax.numpy as jnp
from jax import lax
from jax.experimental import pallas as pl
from jax.experimental.pallas import tpu as pltpu
from jax.experimental.pallas import tpu_sc as plsc

B, S, D = 2, 2048, 1024
FF = 4096
E = 8
T = B * S
CAP = T // E
TB = 1024
NTB = T // TB
FFB = 1024
NFFB = FF // FFB

NC, NS = 2, 16
NW = NC * NS
RPT = T // NW
GCH = 32
NCH = RPT // GCH


def _pipelined_gather(src_hbm, idx_ref, dst_hbm, dst_base, rows_v,
                      gsems, osems):
    gets = [None] * NCH
    puts = [None] * NCH
    for c in range(NCH):
        if c >= 2:
            puts[c - 2].wait()
        gets[c] = pltpu.async_copy(
            src_hbm.at[idx_ref.at[pl.ds(c * GCH, GCH)]],
            rows_v.at[c % 2], gsems[c % 2])
        if c >= 1:
            gets[c - 1].wait()
            puts[c - 1] = pltpu.async_copy(
                rows_v.at[(c - 1) % 2],
                dst_hbm.at[pl.ds(dst_base + (c - 1) * GCH, GCH), :],
                osems[(c - 1) % 2])
    gets[NCH - 1].wait()
    puts[NCH - 1] = pltpu.async_copy(
        rows_v.at[(NCH - 1) % 2],
        dst_hbm.at[pl.ds(dst_base + (NCH - 1) * GCH, GCH), :],
        osems[(NCH - 1) % 2])
    if NCH >= 2:
        puts[NCH - 2].wait()
    puts[NCH - 1].wait()


def _router_body(x_ref, wr_ref, slot_ref, xs_ref, carry_ref):
    pid = pl.program_id(0)

    @pl.when(pid == 0)
    def _():
        carry_ref[...] = jnp.zeros_like(carry_ref)

    xb = x_ref[...]
    logits = lax.dot_general(wr_ref[...], xb,
                             (((1,), (1,)), ((), ())),
                             preferred_element_type=jnp.float32)
    lmax = jnp.max(logits, axis=0, keepdims=True)
    ssum = jnp.sum(jnp.exp(logits - lmax), axis=0)
    iota_e = lax.broadcasted_iota(jnp.int32, (E, TB), 0)
    is_max = logits == lmax
    idx = jnp.min(jnp.where(is_max, iota_e, E), axis=0)
    onehot = (iota_e == idx[None, :])

    r_io = lax.broadcasted_iota(jnp.int32, (TB, TB), 0)
    c_io = lax.broadcasted_iota(jnp.int32, (TB, TB), 1)
    utri = (r_io <= c_io).astype(jnp.bfloat16)
    csum = lax.dot_general(onehot.astype(jnp.bfloat16), utri,
                           (((1,), (0,)), ((), ())),
                           preferred_element_type=jnp.float32)
    ohf = onehot.astype(jnp.float32)
    rank_in_blk = jnp.sum(csum * ohf, axis=0) - 1.0
    carry = carry_ref[...]
    base = jnp.sum(carry * ohf, axis=0)
    rank = (rank_in_blk + base).astype(jnp.int32)
    carry_ref[...] = carry + jnp.sum(ohf, axis=1, keepdims=True)

    slot = jnp.where(rank < CAP, idx * CAP + rank, E * CAP)
    slot_ref[...] = slot.reshape(1, 1, TB)

    xsc = xb * (1.0 / ssum)[:, None]
    bits = lax.bitcast_convert_type(xsc, jnp.int32)
    rnd = (bits + 0x7FFF + ((bits >> 16) & 1)) >> 16
    lo = rnd[:, :D // 2] & 0xFFFF
    hi = rnd[:, D // 2:] << 16
    xs_ref[...] = lax.bitcast_convert_type(hi | lo, jnp.float32)


def _router(x_flat, Wr):
    slot, xs = pl.pallas_call(
        _router_body,
        grid=(NTB,),
        in_specs=[
            pl.BlockSpec((TB, D), lambda i: (i, 0)),
            pl.BlockSpec((E, D), lambda i: (0, 0)),
        ],
        out_specs=[
            pl.BlockSpec((1, 1, TB), lambda i: (i, 0, 0)),
            pl.BlockSpec((TB, D // 2), lambda i: (i, 0)),
        ],
        out_shape=[
            jax.ShapeDtypeStruct((NTB, 1, TB), jnp.int32),
            jax.ShapeDtypeStruct((T, D // 2), jnp.float32),
        ],
        scratch_shapes=[pltpu.VMEM((E, 1), jnp.float32)],
    )(x_flat, Wr)
    return slot.reshape(T), xs


def _dispatch_body(xs_hbm, slot_hbm, xe_hbm,
                   slot_v, rows_v, gsem, osem):
    wid = lax.axis_index("s") * NC + lax.axis_index("c")
    base = wid * RPT

    cp_in = pltpu.async_copy(
        xs_hbm.at[pl.ds(base, RPT), :], rows_v, gsem)
    pltpu.sync_copy(slot_hbm.at[pl.ds(base, RPT)], slot_v)
    cp_in.wait()
    cp_out = pltpu.async_copy(
        rows_v, xe_hbm.at[slot_v.at[pl.ds(0, RPT)]], osem)
    cp_out.wait()


def _dispatch(xs, slot):
    mesh = plsc.VectorSubcoreMesh(core_axis_name="c", subcore_axis_name="s")
    k = pl.kernel(
        _dispatch_body,
        compiler_params=pltpu.CompilerParams(needs_layout_passes=False),
        out_type=jax.ShapeDtypeStruct((T + CAP, D // 2), jnp.float32),
        mesh=mesh,
        scratch_types=[
            pltpu.VMEM((RPT,), jnp.int32),
            pltpu.VMEM((RPT, D // 2), jnp.float32),
            pltpu.SemaphoreType.DMA,
            pltpu.SemaphoreType.DMA,
        ],
    )
    return k(xs, slot)


def _ffn_body(x_ref, w1_ref, w2_ref, out_ref, acc_ref):
    e = pl.program_id(0)
    f = pl.program_id(1)

    @pl.when(e < E)
    def _():
        ai = lax.bitcast_convert_type(x_ref[0], jnp.int32)
        xl = lax.bitcast_convert_type(ai << 16, jnp.float32)
        xh = lax.bitcast_convert_type(ai & jnp.int32(-65536), jnp.float32)
        xl = xl.astype(jnp.bfloat16)
        xh = xh.astype(jnp.bfloat16)
        w1 = w1_ref[0].astype(jnp.bfloat16)
        h = lax.dot_general(xl, w1[:, :D // 2], (((1,), (1,)), ((), ())),
                            preferred_element_type=jnp.float32)
        h = h + lax.dot_general(xh, w1[:, D // 2:], (((1,), (1,)), ((), ())),
                                preferred_element_type=jnp.float32)
        h = jnp.maximum(h, 0.0).astype(jnp.bfloat16)
        w2 = w2_ref[0].astype(jnp.bfloat16)
        part = lax.dot_general(h, w2, (((1,), (1,)), ((), ())),
                               preferred_element_type=jnp.float32)

        @pl.when(f == 0)
        def _():
            acc_ref[...] = part

        @pl.when(f > 0)
        def _():
            acc_ref[...] = acc_ref[...] + part

        @pl.when(f == NFFB - 1)
        def _():
            out_ref[0] = acc_ref[...]

    @pl.when(e == E)
    def _():
        out_ref[0] = jnp.zeros_like(out_ref[0])


def _ffn(xe, W1, W2):
    xe3 = xe.reshape(E + 1, CAP, D // 2)
    clamp_e = lambda e: jnp.minimum(e, E - 1)
    wf = lambda e, f: jnp.where(e < E, f, NFFB - 1)
    out = pl.pallas_call(
        _ffn_body,
        grid=(E + 1, NFFB),
        in_specs=[
            pl.BlockSpec((1, CAP, D // 2), lambda e, f: (clamp_e(e), 0, 0)),
            pl.BlockSpec((1, FFB, D), lambda e, f: (clamp_e(e), wf(e, f), 0)),
            pl.BlockSpec((1, D, FFB), lambda e, f: (clamp_e(e), 0, wf(e, f))),
        ],
        out_specs=pl.BlockSpec((1, CAP, D), lambda e, f: (e, 0, 0)),
        out_shape=jax.ShapeDtypeStruct((E + 1, CAP, D), jnp.float32),
        scratch_shapes=[pltpu.VMEM((CAP, D), jnp.float32)],
    )(xe3, W1, W2)
    return out.reshape((E + 1) * CAP, D)


def _collect_body(res_hbm, slot_hbm, y_hbm, slot_v, rows_v,
                  gs0, gs1, os0, os1):
    wid = lax.axis_index("s") * NC + lax.axis_index("c")
    base = wid * RPT

    pltpu.sync_copy(slot_hbm.at[pl.ds(base, RPT)], slot_v)

    _pipelined_gather(res_hbm, slot_v, y_hbm, base,
                      rows_v, (gs0, gs1), (os0, os1))


def _collect(result, slot):
    mesh = plsc.VectorSubcoreMesh(core_axis_name="c", subcore_axis_name="s")
    k = pl.kernel(
        _collect_body,
        compiler_params=pltpu.CompilerParams(needs_layout_passes=False),
        out_type=jax.ShapeDtypeStruct((T, D), jnp.float32),
        mesh=mesh,
        scratch_types=[
            pltpu.VMEM((RPT,), jnp.int32),
            pltpu.VMEM((2, GCH, D), jnp.float32),
            pltpu.SemaphoreType.DMA,
            pltpu.SemaphoreType.DMA,
            pltpu.SemaphoreType.DMA,
            pltpu.SemaphoreType.DMA,
        ],
    )
    return k(result, slot)


@jax.jit
def kernel(x, Wr, W1, W2):
    x_flat = x.reshape(T, D)
    slot, xs = _router(x_flat, Wr)
    xe = _dispatch(xs, slot)
    result = _ffn(xe, W1, W2)
    y = _collect(result, slot)
    return y.reshape(B, S, D)

# --- scband reference (transcript-rebuilt; emitter-appended) ---
"""Pipeline reference for scband-mo-e-14164802142243 (READ-ONLY COPY).

The authoritative reference and input builder live on the scoring server;
editing this copy changes nothing except your own understanding.
"""

import jax, jax.numpy as jnp
import numpy as np
import math

B, S, D = 2, 2048, 1024
FF = 4096
E = 8
CAP_FACTOR = 1.0


def setup_inputs(seed: int = 0) -> dict:
    key = jax.random.key(seed)
    k1, k2, k3, k4 = jax.random.split(key, 4)
    x = jax.random.normal(k1, (B, S, D), dtype=jnp.float32)
    Wr = jax.random.normal(k2, (E, D), dtype=jnp.float32) * (D ** -0.5)
    W1 = jax.random.normal(k3, (E, FF, D), dtype=jnp.float32) * (D ** -0.5)
    W2 = jax.random.normal(k4, (E, D, FF), dtype=jnp.float32) * (FF ** -0.5)
    return {"x": x, "Wr": Wr, "W1": W1, "W2": W2}


def reference(x, Wr, W1, W2):
    bsz, seq_len, d = x.shape
    t = bsz * seq_len
    x_flat = x.reshape(t, d)
    # Router: logits in fp32, softmax over experts
    logits = x_flat.astype(jnp.float32) @ Wr.T
    expert_probs = jax.nn.softmax(logits, axis=-1)
    per_token_expert_idxs = jnp.argmax(expert_probs, axis=-1)
    per_token_expert_prob = jnp.take_along_axis(expert_probs, per_token_expert_idxs[:, None], axis=1)[:, 0]
    cap = max(math.ceil(t * CAP_FACTOR / E), 1)
    # scatter target has one extra dummy row (t) that absorbs padded indices
    y = jnp.zeros((t + 1, d), dtype=x_flat.dtype)
    for e in range(E):
        mask = per_token_expert_idxs == e
        idxs_e = jnp.nonzero(mask, size=cap, fill_value=t)[0]
        safe = jnp.clip(idxs_e, 0, t - 1)
        xe = x_flat[safe]
        h = jnp.maximum(xe @ W1[e].T, 0.0) @ W2[e].T
        vals = per_token_expert_prob[safe][:, None] * h
        y = y.at[idxs_e].set(vals)
    return y[:t].reshape(bsz, seq_len, d)

if __name__ == "__main__":
    import jax
    _d = setup_inputs()
    print(jax.jit(kernel)(*tuple(_d.values())))

</pallas_src>

<mosaic_0001>
#map = affine_map<(d0, d1) -> (0, 0)>
#map1 = affine_map<(d0, d1) -> (0)>
module attributes {stable_mosaic.version = 14 : i64} {
  func.func @_dispatch_body(%arg0: i32, %arg1: i32, %arg2: memref<4096x512xf32, #tpu.memory_space<hbm>>, %arg3: memref<4096xi32, #tpu.memory_space<hbm>>, %arg4: memref<4608x512xf32, #tpu.memory_space<hbm>>, %arg5: memref<128xi32, #tpu.memory_space<vmem>>, %arg6: memref<128x512xf32, #tpu.memory_space<vmem>>, %arg7: memref<!tpu.dma_semaphore, #tpu.memory_space<semaphore_mem>>, %arg8: memref<!tpu.dma_semaphore, #tpu.memory_space<semaphore_mem>>) attributes {dimension_semantics = [#tpu.dimension_semantics<core_parallel>, #tpu.dimension_semantics<subcore_parallel>], iteration_bounds = array<i64: 2, 16>, scalar_prefetch = 0 : i64, scratch_operands = 4 : i64, tpu.core_type = #tpu.core_type<sc_vector_subcore>, window_params = [{transform_indices = #map}, {transform_indices = #map1}, {transform_indices = #map}]} {
    %mul3A = arith.constant 2 : i32
    %mul3A_0 = arith.muli %arg1, %mul3A : i32
    %add3A = arith.addi %mul3A_0, %arg0 : i32
    %mul3A_1 = arith.constant 128 : i32
    %mul3A_2 = arith.muli %add3A, %mul3A_1 : i32
    %dma_start3A = arith.constant 0 : i32
    %dma_start3A_3 = tpu.memref_slice %arg2[%mul3A_2, %dma_start3A] : memref<4096x512xf32, #tpu.memory_space<hbm>> -> memref<128x512xf32, #tpu.memory_space<hbm>>
    %dma_start3A_4 = arith.constant 0 : i32
    %dma_start3A_5 = tpu.memref_slice %arg2[%mul3A_2, %dma_start3A_4] : memref<4096x512xf32, #tpu.memory_space<hbm>> -> memref<128x512xf32, #tpu.memory_space<hbm>>
    tpu.enqueue_dma source(%dma_start3A_5 : memref<128x512xf32, #tpu.memory_space<hbm>>) target(%arg6 : memref<128x512xf32, #tpu.memory_space<vmem>>) target_semaphore(%arg7 : memref<!tpu.dma_semaphore, #tpu.memory_space<semaphore_mem>>)
    "tpu.region"() ({
      %run_scoped3A = tpu.sem_alloc : memref<!tpu.dma_semaphore, #tpu.memory_space<semaphore_mem>>
      %dma_start3A_19 = tpu.memref_slice %arg3[%mul3A_2] : memref<4096xi32, #tpu.memory_space<hbm>> -> memref<128xi32, #tpu.memory_space<hbm>>
      %dma_start3A_20 = tpu.memref_slice %arg3[%mul3A_2] : memref<4096xi32, #tpu.memory_space<hbm>> -> memref<128xi32, #tpu.memory_space<hbm>>
      tpu.enqueue_dma source(%dma_start3A_20 : memref<128xi32, #tpu.memory_space<hbm>>) target(%arg5 : memref<128xi32, #tpu.memory_space<vmem>>) target_semaphore(%run_scoped3A : memref<!tpu.dma_semaphore, #tpu.memory_space<semaphore_mem>>)
      %dma_wait3A_21 = tpu.memref_slice %arg3[%mul3A_2] : memref<4096xi32, #tpu.memory_space<hbm>> -> memref<128xi32, #tpu.memory_space<hbm>>
      %dma_wait3A_22 = tpu.memref_slice %arg3[%mul3A_2] : memref<4096xi32, #tpu.memory_space<hbm>> -> memref<128xi32, #tpu.memory_space<hbm>>
      tpu.wait_dma2 semaphore(%run_scoped3A : memref<!tpu.dma_semaphore, #tpu.memory_space<semaphore_mem>>) src(%dma_wait3A_22 : memref<128xi32, #tpu.memory_space<hbm>>) dst(%arg5 : memref<128xi32, #tpu.memory_space<vmem>>)
      tpu.yield
    }) : () -> ()
    %dma_wait3A = arith.constant 0 : i32
    %dma_wait3A_6 = tpu.memref_slice %arg2[%mul3A_2, %dma_wait3A] : memref<4096x512xf32, #tpu.memory_space<hbm>> -> memref<128x512xf32, #tpu.memory_space<hbm>>
    %dma_wait3A_7 = arith.constant 0 : i32
    %dma_wait3A_8 = tpu.memref_slice %arg2[%mul3A_2, %dma_wait3A_7] : memref<4096x512xf32, #tpu.memory_space<hbm>> -> memref<128x512xf32, #tpu.memory_space<hbm>>
    tpu.wait_dma2 semaphore(%arg7 : memref<!tpu.dma_semaphore, #tpu.memory_space<semaphore_mem>>) src(%dma_wait3A_8 : memref<128x512xf32, #tpu.memory_space<hbm>>) dst(%arg6 : memref<128x512xf32, #tpu.memory_space<vmem>>)
    %dma_start3A_9 = arith.constant 0 : i32
    %dma_start3A_10 = tpu.memref_slice %arg5[%dma_start3A_9] : memref<128xi32, #tpu.memory_space<vmem>> -> memref<128xi32, #tpu.memory_space<vmem>>
    %dma_start3A_11 = arith.constant 0 : i32
    %dma_start3A_12 = arith.constant 0 : i32
    %dma_start3A_13 = tpu.memref_slice %arg4[%dma_start3A_11, %dma_start3A_12] : memref<4608x512xf32, #tpu.memory_space<hbm>> -> memref<4608x512xf32, #tpu.memory_space<hbm>>
    tpu.enqueue_indirect_dma source(%arg6 : memref<128x512xf32, #tpu.memory_space<vmem>>) target(%dma_start3A_13 : memref<4608x512xf32, #tpu.memory_space<hbm>>) offsets(%dma_start3A_10 : memref<128xi32, #tpu.memory_space<vmem>>) semaphore(%arg8 : memref<!tpu.dma_semaphore, #tpu.memory_space<semaphore_mem>>)
    %dma_wait3A_14 = arith.constant 0 : i32
    %dma_wait3A_15 = tpu.memref_slice %arg5[%dma_wait3A_14] : memref<128xi32, #tpu.memory_space<vmem>> -> memref<128xi32, #tpu.memory_space<vmem>>
    %dma_wait3A_16 = arith.constant 0 : i32
    %dma_wait3A_17 = arith.constant 0 : i32
    %dma_wait3A_18 = tpu.memref_slice %arg4[%dma_wait3A_16, %dma_wait3A_17] : memref<4608x512xf32, #tpu.memory_space<hbm>> -> memref<4608x512xf32, #tpu.memory_space<hbm>>
    tpu.wait_indirect_dma semaphore(%arg8 : memref<!tpu.dma_semaphore, #tpu.memory_space<semaphore_mem>>) src(%arg6 : memref<128x512xf32, #tpu.memory_space<vmem>>) dst(%dma_wait3A_18 : memref<4608x512xf32, #tpu.memory_space<hbm>>)
    return
  }
}

#map = affine_map<(d0, d1) -> (0, 0)>
#map1 = affine_map<(d0, d1) -> (0)>
module attributes {stable_mosaic.version = 14 : i64} {
  func.func @_collect_body(%arg0: i32, %arg1: i32, %arg2: memref<4608x1024xf32, #tpu.memory_space<hbm>>, %arg3: memref<4096xi32, #tpu.memory_space<hbm>>, %arg4: memref<4096x1024xf32, #tpu.memory_space<hbm>>, %arg5: memref<128xi32, #tpu.memory_space<vmem>>, %arg6: memref<2x32x1024xf32, #tpu.memory_space<vmem>>, %arg7: memref<!tpu.dma_semaphore, #tpu.memory_space<semaphore_mem>>, %arg8: memref<!tpu.dma_semaphore, #tpu.memory_space<semaphore_mem>>, %arg9: memref<!tpu.dma_semaphore, #tpu.memory_space<semaphore_mem>>, %arg10: memref<!tpu.dma_semaphore, #tpu.memory_space<semaphore_mem>>) attributes {dimension_semantics = [#tpu.dimension_semantics<core_parallel>, #tpu.dimension_semantics<subcore_parallel>], iteration_bounds = array<i64: 2, 16>, scalar_prefetch = 0 : i64, scratch_operands = 6 : i64, tpu.core_type = #tpu.core_type<sc_vector_subcore>, window_params = [{transform_indices = #map}, {transform_indices = #map1}, {transform_indices = #map}]} {
    %mul3A = arith.constant 2 : i32
    %mul3A_0 = arith.muli %arg1, %mul3A : i32
    %add3A = arith.addi %mul3A_0, %arg0 : i32
    %mul3A_1 = arith.constant 128 : i32
    %mul3A_2 = arith.muli %add3A, %mul3A_1 : i32
    "tpu.region"() ({
      %run_scoped3A = tpu.sem_alloc : memref<!tpu.dma_semaphore, #tpu.memory_space<semaphore_mem>>
      %dma_start3A_193 = tpu.memref_slice %arg3[%mul3A_2] : memref<4096xi32, #tpu.memory_space<hbm>> -> memref<128xi32, #tpu.memory_space<hbm>>
      %dma_start3A_194 = tpu.memref_slice %arg3[%mul3A_2] : memref<4096xi32, #tpu.memory_space<hbm>> -> memref<128xi32, #tpu.memory_space<hbm>>
      tpu.enqueue_dma source(%dma_start3A_194 : memref<128xi32, #tpu.memory_space<hbm>>) target(%arg5 : memref<128xi32, #tpu.memory_space<vmem>>) target_semaphore(%run_scoped3A : memref<!tpu.dma_semaphore, #tpu.memory_space<semaphore_mem>>)
      %dma_wait3A_195 = tpu.memref_slice %arg3[%mul3A_2] : memref<4096xi32, #tpu.memory_space<hbm>> -> memref<128xi32, #tpu.memory_space<hbm>>
      %dma_wait3A_196 = tpu.memref_slice %arg3[%mul3A_2] : memref<4096xi32, #tpu.memory_space<hbm>> -> memref<128xi32, #tpu.memory_space<hbm>>
      tpu.wait_dma2 semaphore(%run_scoped3A : memref<!tpu.dma_semaphore, #tpu.memory_space<semaphore_mem>>) src(%dma_wait3A_196 : memref<128xi32, #tpu.memory_space<hbm>>) dst(%arg5 : memref<128xi32, #tpu.memory_space<vmem>>)
      tpu.yield
    }) : () -> ()
    %dma_start3A = arith.constant 0 : i32
    %dma_start3A_3 = arith.constant 0 : i32
    %dma_start3A_4 = arith.constant 0 : i32
    %dma_start3A_5 = tpu.memref_slice %arg6[%dma_start3A, %dma_start3A_3, %dma_start3A_4] : memref<2x32x1024xf32, #tpu.memory_space<vmem>> -> memref<1x32x1024xf32, #tpu.memory_space<vmem>>
    %dma_start3A_6 = tpu.memref_squeeze %dma_start3A_5 : memref<1x32x1024xf32, #tpu.memory_space<vmem>> -> memref<32x1024xf32, #tpu.memory_space<vmem>>
    %dma_start3A_7 = arith.constant 0 : i32
    %dma_start3A_8 = tpu.memref_slice %arg5[%dma_start3A_7] : memref<128xi32, #tpu.memory_space<vmem>> -> memref<32xi32, #tpu.memory_space<vmem>>
    %dma_start3A_9 = arith.constant 0 : i32
    %dma_start3A_10 = arith.constant 0 : i32
    %dma_start3A_11 = tpu.memref_slice %arg2[%dma_start3A_9, %dma_start3A_10] : memref<4608x1024xf32, #tpu.memory_space<hbm>> -> memref<4608x1024xf32, #tpu.memory_space<hbm>>
    tpu.enqueue_indirect_dma source(%dma_start3A_11 : memref<4608x1024xf32, #tpu.memory_space<hbm>>) target(%dma_start3A_6 : memref<32x1024xf32, #tpu.memory_space<vmem>>) offsets(%dma_start3A_8 : memref<32xi32, #tpu.memory_space<vmem>>) semaphore(%arg7 : memref<!tpu.dma_semaphore, #tpu.memory_space<semaphore_mem>>)
    %dma_start3A_12 = arith.constant 1 : i32
    %dma_start3A_13 = arith.constant 0 : i32
    %dma_start3A_14 = arith.constant 0 : i32
    %dma_start3A_15 = tpu.memref_slice %arg6[%dma_start3A_12, %dma_start3A_13, %dma_start3A_14] : memref<2x32x1024xf32, #tpu.memory_space<vmem>> -> memref<1x32x1024xf32, #tpu.memory_space<vmem>>
    %dma_start3A_16 = tpu.memref_squeeze %dma_start3A_15 : memref<1x32x1024xf32, #tpu.memory_space<vmem>> -> memref<32x1024xf32, #tpu.memory_space<vmem>>
    %dma_start3A_17 = arith.constant 32 : i32
    %dma_start3A_18 = tpu.memref_slice %arg5[%dma_start3A_17] : memref<128xi32, #tpu.memory_space<vmem>> -> memref<32xi32, #tpu.memory_space<vmem>>
    %dma_start3A_19 = arith.constant 0 : i32
    %dma_start3A_20 = arith.constant 0 : i32
    %dma_start3A_21 = tpu.memref_slice %arg2[%dma_start3A_19, %dma_start3A_20] : memref<4608x1024xf32, #tpu.memory_space<hbm>> -> memref<4608x1024xf32, #tpu.memory_space<hbm>>
    tpu.enqueue_indirect_dma source(%dma_start3A_21 : memref<4608x1024xf32, #tpu.memory_space<hbm>>) target(%dma_start3A_16 : memref<32x1024xf32, #tpu.memory_space<vmem>>) offsets(%dma_start3A_18 : memref<32xi32, #tpu.memory_space<vmem>>) semaphore(%arg8 : memref<!tpu.dma_semaphore, #tpu.memory_space<semaphore_mem>>)
    %dma_wait3A = arith.constant 0 : i32
    %dma_wait3A_22 = arith.constant 0 : i32
    %dma_wait3A_23 = arith.constant 0 : i32
    %dma_wait3A_24 = tpu.memref_slice %arg6[%dma_wait3A, %dma_wait3A_22, %dma_wait3A_23] : memref<2x32x1024xf32, #tpu.memory_space<vmem>> -> memref<1x32x1024xf32, #tpu.memory_space<vmem>>
    %dma_wait3A_25 = tpu.memref_squeeze %dma_wait3A_24 : memref<1x32x1024xf32, #tpu.memory_space<vmem>> -> memref<32x1024xf32, #tpu.memory_space<vmem>>
    %dma_wait3A_26 = arith.constant 0 : i32
    %dma_wait3A_27 = tpu.memref_slice %arg5[%dma_wait3A_26] : memref<128xi32, #tpu.memory_space<vmem>> -> memref<32xi32, #tpu.memory_space<vmem>>
    %dma_wait3A_28 = arith.constant 0 : i32
    %dma_wait3A_29 = arith.constant 0 : i32
    %dma_wait3A_30 = tpu.memref_slice %arg2[%dma_wait3A_28, %dma_wait3A_29] : memref<4608x1024xf32, #tpu.memory_space<hbm>> -> memref<4608x1024xf32, #tpu.memory_space<hbm>>
    tpu.wait_indirect_dma semaphore(%arg7 : memref<!tpu.dma_semaphore, #tpu.memory_space<semaphore_mem>>) src(%dma_wait3A_30 : memref<4608x1024xf32, #tpu.memory_space<hbm>>) dst(%dma_wait3A_25 : memref<32x1024xf32, #tpu.memory_space<vmem>>)
    %add3A_31 = arith.constant 0 : i32
    %add3A_32 = arith.addi %mul3A_2, %add3A_31 : i32
    %dma_start3A_33 = arith.constant 0 : i32
    %dma_start3A_34 = arith.constant 0 : i32
    %dma_start3A_35 = arith.constant 0 : i32
    %dma_start3A_36 = tpu.memref_slice %arg6[%dma_start3A_33, %dma_start3A_34, %dma_start3A_35] : memref<2x32x1024xf32, #tpu.memory_space<vmem>> -> memref<1x32x1024xf32, #tpu.memory_space<vmem>>
    %dma_start3A_37 = tpu.memref_squeeze %dma_start3A_36 : memref<1x32x1024xf32, #tpu.memory_space<vmem>> -> memref<32x1024xf32, #tpu.memory_space<vmem>>
    %dma_start3A_38 = arith.constant 0 : i32
    %dma_start3A_39 = tpu.memref_slice %arg4[%add3A_32, %dma_start3A_38] : memref<4096x1024xf32, #tpu.memory_space<hbm>> -> memref<32x1024xf32, #tpu.memory_space<hbm>>
    %dma_start3A_40 = arith.constant 0 : i32
    %dma_start3A_41 = tpu.memref_slice %arg4[%add3A_32, %dma_start3A_40] : memref<4096x1024xf32, #tpu.memory_space<hbm>> -> memref<32x1024xf32, #tpu.memory_space<hbm>>
    %dma_start3A_42 = arith.constant 0 : i32
    %dma_start3A_43 = arith.constant 0 : i32
    %dma_start3A_44 = tpu.memref_slice %arg6[%dma_start3A_33, %dma_start3A_42, %dma_start3A_43] : memref<2x32x1024xf32, #tpu.memory_space<vmem>> -> memref<1x32x1024xf32, #tpu.memory_space<vmem>>
    %dma_start3A_45 = tpu.memref_squeeze %dma_start3A_44 : memref<1x32x1024xf32, #tpu.memory_space<vmem>> -> memref<32x1024xf32, #tpu.memory_space<vmem>>
    tpu.enqueue_dma source(%dma_start3A_45 : memref<32x1024xf32, #tpu.memory_space<vmem>>) target(%dma_start3A_41 : memref<32x1024xf32, #tpu.memory_space<hbm>>) target_semaphore(%arg9 : memref<!tpu.dma_semaphore, #tpu.memory_space<semaphore_mem>>)
    %dma_wait3A_46 = arith.constant 0 : i32
    %dma_wait3A_47 = arith.constant 0 : i32
    %dma_wait3A_48 = arith.constant 0 : i32
    %dma_wait3A_49 = tpu.memref_slice %arg6[%dma_wait3A_46, %dma_wait3A_47, %dma_wait3A_48] : memref<2x32x1024xf32, #tpu.memory_space<vmem>> -> memref<1x32x1024xf32, #tpu.memory_space<vmem>>
    %dma_wait3A_50 = tpu.memref_squeeze %dma_wait3A_49 : memref<1x32x1024xf32, #tpu.memory_space<vmem>> -> memref<32x1024xf32, #tpu.memory_space<vmem>>
    %dma_wait3A_51 = arith.constant 0 : i32
    %dma_wait3A_52 = tpu.memref_slice %arg4[%add3A_32, %dma_wait3A_51] : memref<4096x1024xf32, #tpu.memory_space<hbm>> -> memref<32x1024xf32, #tpu.memory_space<hbm>>
    %dma_wait3A_53 = arith.constant 0 : i32
    %dma_wait3A_54 = tpu.memref_slice %arg4[%add3A_32, %dma_wait3A_53] : memref<4096x1024xf32, #tpu.memory_space<hbm>> -> memref<32x1024xf32, #tpu.memory_space<hbm>>
    %dma_wait3A_55 = arith.constant 0 : i32
    %dma_wait3A_56 = arith.constant 0 : i32
    %dma_wait3A_57 = tpu.memref_slice %arg6[%dma_wait3A_46, %dma_wait3A_55, %dma_wait3A_56] : memref<2x32x1024xf32, #tpu.memory_space<vmem>> -> memref<1x32x1024xf32, #tpu.memory_space<vmem>>
    %dma_wait3A_58 = tpu.memref_squeeze %dma_wait3A_57 : memref<1x32x1024xf32, #tpu.memory_space<vmem>> -> memref<32x1024xf32, #tpu.memory_space<vmem>>
    tpu.wait_dma2 semaphore(%arg9 : memref<!tpu.dma_semaphore, #tpu.memory_space<semaphore_mem>>) src(%dma_wait3A_58 : memref<32x1024xf32, #tpu.memory_space<vmem>>) dst(%dma_wait3A_54 : memref<32x1024xf32, #tpu.memory_space<hbm>>)
    %dma_start3A_59 = arith.constant 0 : i32
    %dma_start3A_60 = arith.constant 0 : i32
    %dma_start3A_61 = arith.constant 0 : i32
    %dma_start3A_62 = tpu.memref_slice %arg6[%dma_start3A_59, %dma_start3A_60, %dma_start3A_61] : memref<2x32x1024xf32, #tpu.memory_space<vmem>> -> memref<1x32x1024xf32, #tpu.memory_space<vmem>>
    %dma_start3A_63 = tpu.memref_squeeze %dma_start3A_62 : memref<1x32x1024xf32, #tpu.memory_space<vmem>> -> memref<32x1024xf32, #tpu.memory_space<vmem>>
    %dma_start3A_64 = arith.constant 64 : i32
    %dma_start3A_65 = tpu.memref_slice %arg5[%dma_start3A_64] : memref<128xi32, #tpu.memory_space<vmem>> -> memref<32xi32, #tpu.memory_space<vmem>>
    %dma_start3A_66 = arith.constant 0 : i32
    %dma_start3A_67 = arith.constant 0 : i32
    %dma_start3A_68 = tpu.memref_slice %arg2[%dma_start3A_66, %dma_start3A_67] : memref<4608x1024xf32, #tpu.memory_space<hbm>> -> memref<4608x1024xf32, #tpu.memory_space<hbm>>
    tpu.enqueue_indirect_dma source(%dma_start3A_68 : memref<4608x1024xf32, #tpu.memory_space<hbm>>) target(%dma_start3A_63 : memref<32x1024xf32, #tpu.memory_space<vmem>>) offsets(%dma_start3A_65 : memref<32xi32, #tpu.memory_space<vmem>>) semaphore(%arg7 : memref<!tpu.dma_semaphore, #tpu.memory_space<semaphore_mem>>)
    %dma_wait3A_69 = arith.constant 1 : i32
    %dma_wait3A_70 = arith.constant 0 : i32
    %dma_wait3A_71 = arith.constant 0 : i32
    %dma_wait3A_72 = tpu.memref_slice %arg6[%dma_wait3A_69, %dma_wait3A_70, %dma_wait3A_71] : memref<2x32x1024xf32, #tpu.memory_space<vmem>> -> memref<1x32x1024xf32, #tpu.memory_space<vmem>>
    %dma_wait3A_73 = tpu.memref_squeeze %dma_wait3A_72 : memref<1x32x1024xf32, #tpu.memory_space<vmem>> -> memref<32x1024xf32, #tpu.memory_space<vmem>>
    %dma_wait3A_74 = arith.constant 32 : i32
    %dma_wait3A_75 = tpu.memref_slice %arg5[%dma_wait3A_74] : memref<128xi32, #tpu.memory_space<vmem>> -> memref<32xi32, #tpu.memory_space<vmem>>
    %dma_wait3A_76 = arith.constant 0 : i32
    %dma_wait3A_77 = arith.constant 0 : i32
    %dma_wait3A_78 = tpu.memref_slice %arg2[%dma_wait3A_76, %dma_wait3A_77] : memref<4608x1024xf32, #tpu.memory_space<hbm>> -> memref<4608x1024xf32, #tpu.memory_space<hbm>>
    tpu.wait_indirect_dma semaphore(%arg8 : memref<!tpu.dma_semaphore, #tpu.memory_space<semaphore_mem>>) src(%dma_wait3A_78 : memref<4608x1024xf32, #tpu.memory_space<hbm>>) dst(%dma_wait3A_73 : memref<32x1024xf32, #tpu.memory_space<vmem>>)
    %add3A_79 = arith.constant 32 : i32
    %add3A_80 = arith.addi %mul3A_2, %add3A_79 : i32
    %dma_start3A_81 = arith.constant 1 : i32
    %dma_start3A_82 = arith.constant 0 : i32
    %dma_start3A_83 = arith.constant 0 : i32
    %dma_start3A_84 = tpu.memref_slice %arg6[%dma_start3A_81, %dma_start3A_82, %dma_start3A_83] : memref<2x32x1024xf32, #tpu.memory_space<vmem>> -> memref<1x32x1024xf32, #tpu.memory_space<vmem>>
    %dma_start3A_85 = tpu.memref_squeeze %dma_start3A_84 : memref<1x32x1024xf32, #tpu.memory_space<vmem>> -> memref<32x1024xf32, #tpu.memory_space<vmem>>
    %dma_start3A_86 = arith.constant 0 : i32
    %dma_start3A_87 = tpu.memref_slice %arg4[%add3A_80, %dma_start3A_86] : memref<4096x1024xf32, #tpu.memory_space<hbm>> -> memref<32x1024xf32, #tpu.memory_space<hbm>>
    %dma_start3A_88 = arith.constant 0 : i32
    %dma_start3A_89 = tpu.memref_slice %arg4[%add3A_80, %dma_start3A_88] : memref<4096x1024xf32, #tpu.memory_space<hbm>> -> memref<32x1024xf32, #tpu.memory_space<hbm>>
    %dma_start3A_90 = arith.constant 0 : i32
    %dma_start3A_91 = arith.constant 0 : i32
    %dma_start3A_92 = tpu.memref_slice %arg6[%dma_start3A_81, %dma_start3A_90, %dma_start3A_91] : memref<2x32x1024xf32, #tpu.memory_space<vmem>> -> memref<1x32x1024xf32, #tpu.memory_space<vmem>>
    %dma_start3A_93 = tpu.memref_squeeze %dma_start3A_92 : memref<1x32x1024xf32, #tpu.memory_space<vmem>> -> memref<32x1024xf32, #tpu.memory_space<vmem>>
    tpu.enqueue_dma source(%dma_start3A_93 : memref<32x1024xf32, #tpu.memory_space<vmem>>) target(%dma_start3A_89 : memref<32x1024xf32, #tpu.memory_space<hbm>>) target_semaphore(%arg10 : memref<!tpu.dma_semaphore, #tpu.memory_space<semaphore_mem>>)
    %dma_wait3A_94 = arith.constant 1 : i32
    %dma_wait3A_95 = arith.constant 0 : i32
    %dma_wait3A_96 = arith.constant 0 : i32
    %dma_wait3A_97 = tpu.memref_slice %arg6[%dma_wait3A_94, %dma_wait3A_95, %dma_wait3A_96] : memref<2x32x1024xf32, #tpu.memory_space<vmem>> -> memref<1x32x1024xf32, #tpu.memory_space<vmem>>
    %dma_wait3A_98 = tpu.memref_squeeze %dma_wait3A_97 : memref<1x32x1024xf32, #tpu.memory_space<vmem>> -> memref<32x1024xf32, #tpu.memory_space<vmem>>
    %dma_wait3A_99 = arith.constant 0 : i32
    %dma_wait3A_100 = tpu.memref_slice %arg4[%add3A_80, %dma_wait3A_99] : memref<4096x1024xf32, #tpu.memory_space<hbm>> -> memref<32x1024xf32, #tpu.memory_space<hbm>>
    %dma_wait3A_101 = arith.constant 0 : i32
    %dma_wait3A_102 = tpu.memref_slice %arg4[%add3A_80, %dma_wait3A_101] : memref<4096x1024xf32, #tpu.memory_space<hbm>> -> memref<32x1024xf32, #tpu.memory_space<hbm>>
    %dma_wait3A_103 = arith.constant 0 : i32
    %dma_wait3A_104 = arith.constant 0 : i32
    %dma_wait3A_105 = tpu.memref_slice %arg6[%dma_wait3A_94, %dma_wait3A_103, %dma_wait3A_104] : memref<2x32x1024xf32, #tpu.memory_space<vmem>> -> memref<1x32x1024xf32, #tpu.memory_space<vmem>>
    %dma_wait3A_106 = tpu.memref_squeeze %dma_wait3A_105 : memref<1x32x1024xf32, #tpu.memory_space<vmem>> -> memref<32x1024xf32, #tpu.memory_space<vmem>>
    tpu.wait_dma2 semaphore(%arg10 : memref<!tpu.dma_semaphore, #tpu.memory_space<semaphore_mem>>) src(%dma_wait3A_106 : memref<32x1024xf32, #tpu.memory_space<vmem>>) dst(%dma_wait3A_102 : memref<32x1024xf32, #tpu.memory_space<hbm>>)
    %dma_start3A_107 = arith.constant 1 : i32
    %dma_start3A_108 = arith.constant 0 : i32
    %dma_start3A_109 = arith.constant 0 : i32
    %dma_start3A_110 = tpu.memref_slice %arg6[%dma_start3A_107, %dma_start3A_108, %dma_start3A_109] : memref<2x32x1024xf32, #tpu.memory_space<vmem>> -> memref<1x32x1024xf32, #tpu.memory_space<vmem>>
    %dma_start3A_111 = tpu.memref_squeeze %dma_start3A_110 : memref<1x32x1024xf32, #tpu.memory_space<vmem>> -> memref<32x1024xf32, #tpu.memory_space<vmem>>
    %dma_start3A_112 = arith.constant 96 : i32
    %dma_start3A_113 = tpu.memref_slice %arg5[%dma_start3A_112] : memref<128xi32, #tpu.memory_space<vmem>> -> memref<32xi32, #tpu.memory_space<vmem>>
    %dma_start3A_114 = arith.constant 0 : i32
    %dma_start3A_115 = arith.constant 0 : i32
    %dma_start3A_116 = tpu.memref_slice %arg2[%dma_start3A_114, %dma_start3A_115] : memref<4608x1024xf32, #tpu.memory_space<hbm>> -> memref<4608x1024xf32, #tpu.memory_space<hbm>>
    tpu.enqueue_indirect_dma source(%dma_start3A_116 : memref<4608x1024xf32, #tpu.memory_space<hbm>>) target(%dma_start3A_111 : memref<32x1024xf32, #tpu.memory_space<vmem>>) offsets(%dma_start3A_113 : memref<32xi32, #tpu.memory_space<vmem>>) semaphore(%arg8 : memref<!tpu.dma_semaphore, #tpu.memory_space<semaphore_mem>>)
    %dma_wait3A_117 = arith.constant 0 : i32
    %dma_wait3A_118 = arith.constant 0 : i32
    %dma_wait3A_119 = arith.constant 0 : i32
    %dma_wait3A_120 = tpu.memref_slice %arg6[%dma_wait3A_117, %dma_wait3A_118, %dma_wait3A_119] : memref<2x32x1024xf32, #tpu.memory_space<vmem>> -> memref<1x32x1024xf32, #tpu.memory_space<vmem>>
    %dma_wait3A_121 = tpu.memref_squeeze %dma_wait3A_120 : memref<1x32x1024xf32, #tpu.memory_space<vmem>> -> memref<32x1024xf32, #tpu.memory_space<vmem>>
    %dma_wait3A_122 = arith.constant 64 : i32
    %dma_wait3A_123 = tpu.memref_slice %arg5[%dma_wait3A_122] : memref<128xi32, #tpu.memory_space<vmem>> -> memref<32xi32, #tpu.memory_space<vmem>>
    %dma_wait3A_124 = arith.constant 0 : i32
    %dma_wait3A_125 = arith.constant 0 : i32
    %dma_wait3A_126 = tpu.memref_slice %arg2[%dma_wait3A_124, %dma_wait3A_125] : memref<4608x1024xf32, #tpu.memory_space<hbm>> -> memref<4608x1024xf32, #tpu.memory_space<hbm>>
    tpu.wait_indirect_dma semaphore(%arg7 : memref<!tpu.dma_semaphore, #tpu.memory_space<semaphore_mem>>) src(%dma_wait3A_126 : memref<4608x1024xf32, #tpu.memory_space<hbm>>) dst(%dma_wait3A_121 : memref<32x1024xf32, #tpu.memory_space<vmem>>)
    %add3A_127 = arith.constant 64 : i32
    %add3A_128 = arith.addi %mul3A_2, %add3A_127 : i32
    %dma_start3A_129 = arith.constant 0 : i32
    %dma_start3A_130 = arith.constant 0 : i32
    %dma_start3A_131 = arith.constant 0 : i32
    %dma_start3A_132 = tpu.memref_slice %arg6[%dma_start3A_129, %dma_start3A_130, %dma_start3A_131] : memref<2x32x1024xf32, #tpu.memory_space<vmem>> -> memref<1x32x1024xf32, #tpu.memory_space<vmem>>
    %dma_start3A_133 = tpu.memref_squeeze %dma_start3A_132 : memref<1x32x1024xf32, #tpu.memory_space<vmem>> -> memref<32x1024xf32, #tpu.memory_space<vmem>>
    %dma_start3A_134 = arith.constant 0 : i32
    %dma_start3A_135 = tpu.memref_slice %arg4[%add3A_128, %dma_start3A_134] : memref<4096x1024xf32, #tpu.memory_space<hbm>> -> memref<32x1024xf32, #tpu.memory_space<hbm>>
    %dma_start3A_136 = arith.constant 0 : i32
    %dma_start3A_137 = tpu.memref_slice %arg4[%add3A_128, %dma_start3A_136] : memref<4096x1024xf32, #tpu.memory_space<hbm>> -> memref<32x1024xf32, #tpu.memory_space<hbm>>
    %dma_start3A_138 = arith.constant 0 : i32
    %dma_start3A_139 = arith.constant 0 : i32
    %dma_start3A_140 = tpu.memref_slice %arg6[%dma_start3A_129, %dma_start3A_138, %dma_start3A_139] : memref<2x32x1024xf32, #tpu.memory_space<vmem>> -> memref<1x32x1024xf32, #tpu.memory_space<vmem>>
    %dma_start3A_141 = tpu.memref_squeeze %dma_start3A_140 : memref<1x32x1024xf32, #tpu.memory_space<vmem>> -> memref<32x1024xf32, #tpu.memory_space<vmem>>
    tpu.enqueue_dma source(%dma_start3A_141 : memref<32x1024xf32, #tpu.memory_space<vmem>>) target(%dma_start3A_137 : memref<32x1024xf32, #tpu.memory_space<hbm>>) target_semaphore(%arg9 : memref<!tpu.dma_semaphore, #tpu.memory_space<semaphore_mem>>)
    %dma_wait3A_142 = arith.constant 1 : i32
    %dma_wait3A_143 = arith.constant 0 : i32
    %dma_wait3A_144 = arith.constant 0 : i32
    %dma_wait3A_145 = tpu.memref_slice %arg6[%dma_wait3A_142, %dma_wait3A_143, %dma_wait3A_144] : memref<2x32x1024xf32, #tpu.memory_space<vmem>> -> memref<1x32x1024xf32, #tpu.memory_space<vmem>>
    %dma_wait3A_146 = tpu.memref_squeeze %dma_wait3A_145 : memref<1x32x1024xf32, #tpu.memory_space<vmem>> -> memref<32x1024xf32, #tpu.memory_space<vmem>>
    %dma_wait3A_147 = arith.constant 96 : i32
    %dma_wait3A_148 = tpu.memref_slice %arg5[%dma_wait3A_147] : memref<128xi32, #tpu.memory_space<vmem>> -> memref<32xi32, #tpu.memory_space<vmem>>
    %dma_wait3A_149 = arith.constant 0 : i32
    %dma_wait3A_150 = arith.constant 0 : i32
    %dma_wait3A_151 = tpu.memref_slice %arg2[%dma_wait3A_149, %dma_wait3A_150] : memref<4608x1024xf32, #tpu.memory_space<hbm>> -> memref<4608x1024xf32, #tpu.memory_space<hbm>>
    tpu.wait_indirect_dma semaphore(%arg8 : memref<!tpu.dma_semaphore, #tpu.memory_space<semaphore_mem>>) src(%dma_wait3A_151 : memref<4608x1024xf32, #tpu.memory_space<hbm>>) dst(%dma_wait3A_146 : memref<32x1024xf32, #tpu.memory_space<vmem>>)
    %add3A_152 = arith.constant 96 : i32
    %add3A_153 = arith.addi %mul3A_2, %add3A_152 : i32
    %dma_start3A_154 = arith.constant 1 : i32
    %dma_start3A_155 = arith.constant 0 : i32
    %dma_start3A_156 = arith.constant 0 : i32
    %dma_start3A_157 = tpu.memref_slice %arg6[%dma_start3A_154, %dma_start3A_155, %dma_start3A_156] : memref<2x32x1024xf32, #tpu.memory_space<vmem>> -> memref<1x32x1024xf32, #tpu.memory_space<vmem>>
    %dma_start3A_158 = tpu.memref_squeeze %dma_start3A_157 : memref<1x32x1024xf32, #tpu.memory_space<vmem>> -> memref<32x1024xf32, #tpu.memory_space<vmem>>
    %dma_start3A_159 = arith.constant 0 : i32
    %dma_start3A_160 = tpu.memref_slice %arg4[%add3A_153, %dma_start3A_159] : memref<4096x1024xf32, #tpu.memory_space<hbm>> -> memref<32x1024xf32, #tpu.memory_space<hbm>>
    %dma_start3A_161 = arith.constant 0 : i32
    %dma_start3A_162 = tpu.memref_slice %arg4[%add3A_153, %dma_start3A_161] : memref<4096x1024xf32, #tpu.memory_space<hbm>> -> memref<32x1024xf32, #tpu.memory_space<hbm>>
    %dma_start3A_163 = arith.constant 0 : i32
    %dma_start3A_164 = arith.constant 0 : i32
    %dma_start3A_165 = tpu.memref_slice %arg6[%dma_start3A_154, %dma_start3A_163, %dma_start3A_164] : memref<2x32x1024xf32, #tpu.memory_space<vmem>> -> memref<1x32x1024xf32, #tpu.memory_space<vmem>>
    %dma_start3A_166 = tpu.memref_squeeze %dma_start3A_165 : memref<1x32x1024xf32, #tpu.memory_space<vmem>> -> memref<32x1024xf32, #tpu.memory_space<vmem>>
    tpu.enqueue_dma source(%dma_start3A_166 : memref<32x1024xf32, #tpu.memory_space<vmem>>) target(%dma_start3A_162 : memref<32x1024xf32, #tpu.memory_space<hbm>>) target_semaphore(%arg10 : memref<!tpu.dma_semaphore, #tpu.memory_space<semaphore_mem>>)
    %dma_wait3A_167 = arith.constant 0 : i32
    %dma_wait3A_168 = arith.constant 0 : i32
    %dma_wait3A_169 = arith.constant 0 : i32
    %dma_wait3A_170 = tpu.memref_slice %arg6[%dma_wait3A_167, %dma_wait3A_168, %dma_wait3A_169] : memref<2x32x1024xf32, #tpu.memory_space<vmem>> -> memref<1x32x1024xf32, #tpu.memory_space<vmem>>
    %dma_wait3A_171 = tpu.memref_squeeze %dma_wait3A_170 : memref<1x32x1024xf32, #tpu.memory_space<vmem>> -> memref<32x1024xf32, #tpu.memory_space<vmem>>
    %dma_wait3A_172 = arith.constant 0 : i32
    %dma_wait3A_173 = tpu.memref_slice %arg4[%add3A_128, %dma_wait3A_172] : memref<4096x1024xf32, #tpu.memory_space<hbm>> -> memref<32x1024xf32, #tpu.memory_space<hbm>>
    %dma_wait3A_174 = arith.constant 0 : i32
    %dma_wait3A_175 = tpu.memref_slice %arg4[%add3A_128, %dma_wait3A_174] : memref<4096x1024xf32, #tpu.memory_space<hbm>> -> memref<32x1024xf32, #tpu.memory_space<hbm>>
    %dma_wait3A_176 = arith.constant 0 : i32
    %dma_wait3A_177 = arith.constant 0 : i32
    %dma_wait3A_178 = tpu.memref_slice %arg6[%dma_wait3A_167, %dma_wait3A_176, %dma_wait3A_177] : memref<2x32x1024xf32, #tpu.memory_space<vmem>> -> memref<1x32x1024xf32, #tpu.memory_space<vmem>>
    %dma_wait3A_179 = tpu.memref_squeeze %dma_wait3A_178 : memref<1x32x1024xf32, #tpu.memory_space<vmem>> -> memref<32x1024xf32, #tpu.memory_space<vmem>>
    tpu.wait_dma2 semaphore(%arg9 : memref<!tpu.dma_semaphore, #tpu.memory_space<semaphore_mem>>) src(%dma_wait3A_179 : memref<32x1024xf32, #tpu.memory_space<vmem>>) dst(%dma_wait3A_175 : memref<32x1024xf32, #tpu.memory_space<hbm>>)
    %dma_wait3A_180 = arith.constant 1 : i32
    %dma_wait3A_181 = arith.constant 0 : i32
    %dma_wait3A_182 = arith.constant 0 : i32
    %dma_wait3A_183 = tpu.memref_slice %arg6[%dma_wait3A_180, %dma_wait3A_181, %dma_wait3A_182] : memref<2x32x1024xf32, #tpu.memory_space<vmem>> -> memref<1x32x1024xf32, #tpu.memory_space<vmem>>
    %dma_wait3A_184 = tpu.memref_squeeze %dma_wait3A_183 : memref<1x32x1024xf32, #tpu.memory_space<vmem>> -> memref<32x1024xf32, #tpu.memory_space<vmem>>
    %dma_wait3A_185 = arith.constant 0 : i32
    %dma_wait3A_186 = tpu.memref_slice %arg4[%add3A_153, %dma_wait3A_185] : memref<4096x1024xf32, #tpu.memory_space<hbm>> -> memref<32x1024xf32, #tpu.memory_space<hbm>>
    %dma_wait3A_187 = arith.constant 0 : i32
    %dma_wait3A_188 = tpu.memref_slice %arg4[%add3A_153, %dma_wait3A_187] : memref<4096x1024xf32, #tpu.memory_space<hbm>> -> memref<32x1024xf32, #tpu.memory_space<hbm>>
    %dma_wait3A_189 = arith.constant 0 : i32
    %dma_wait3A_190 = arith.constant 0 : i32
    %dma_wait3A_191 = tpu.memref_slice %arg6[%dma_wait3A_180, %dma_wait3A_189, %dma_wait3A_190] : memref<2x32x1024xf32, #tpu.memory_space<vmem>> -> memref<1x32x1024xf32, #tpu.memory_space<vmem>>
    %dma_wait3A_192 = tpu.memref_squeeze %dma_wait3A_191 : memref<1x32x1024xf32, #tpu.memory_space<vmem>> -> memref<32x1024xf32, #tpu.memory_space<vmem>>
    tpu.wait_dma2 semaphore(%arg10 : memref<!tpu.dma_semaphore, #tpu.memory_space<semaphore_mem>>) src(%dma_wait3A_192 : memref<32x1024xf32, #tpu.memory_space<vmem>>) dst(%dma_wait3A_188 : memref<32x1024xf32, #tpu.memory_space<hbm>>)
    return
  }
}

module attributes {stable_mosaic.version = 14 : i64} {
  func.func @_ffn_body(%arg0: i32, %arg1: i32, %arg2: memref<1x512x512xf32, #tpu.memory_space<vmem>>, %arg3: memref<1x1024x1024xf32, #tpu.memory_space<vmem>>, %arg4: memref<1x1024x1024xf32, #tpu.memory_space<vmem>>, %arg5: memref<1x512x1024xf32, #tpu.memory_space<vmem>>, %arg6: memref<512x1024xf32, #tpu.memory_space<vmem>>) attributes {dimension_semantics = [#tpu.dimension_semantics<arbitrary>, #tpu.dimension_semantics<arbitrary>], iteration_bounds = array<i64: 9, 4>, scalar_prefetch = 0 : i64, scratch_operands = 1 : i64, tpu.core_type = #tpu.core_type<tc>, window_params = [{transform_indices = @transform_0, window_bounds = array<i64: 1, 512, 512>}, {transform_indices = @transform_1, window_bounds = array<i64: 1, 1024, 1024>}, {transform_indices = @transform_2, window_bounds = array<i64: 1, 1024, 1024>}, {transform_indices = @transform_3, window_bounds = array<i64: 1, 512, 1024>}]} {
    %lt3A = arith.constant 8 : i32
    %lt3A_0 = arith.cmpi slt, %arg0, %lt3A : i32
    %convert_element_type3A = arith.extui %lt3A_0 : i1 to i32
    %cond3A = arith.constant 0 : i32
    %cond3A_1 = arith.cmpi ne, %convert_element_type3A, %cond3A : i32
    scf.if %cond3A_1 {
      %get3A = arith.constant 0 : index
      %get3A_6 = arith.constant 0 : index
      %get3A_7 = arith.constant 0 : index
      %get3A_8 = vector.load %arg2[%get3A, %get3A_6, %get3A_7] : memref<1x512x512xf32, #tpu.memory_space<vmem>>, vector<1x512x512xf32>
      %get3A_9 = vector.shape_cast %get3A_8 : vector<1x512x512xf32> to vector<512x512xf32>
      %bitcast_convert_type3A = tpu.bitcast %get3A_9 : vector<512x512xf32> -> vector<512x512xi32>
      %shift_left3A = arith.constant 16 : i32
      %shift_left3A_10 = vector.broadcast %shift_left3A : i32 to vector<512x512xi32>
      %shift_left3A_11 = arith.shli %bitcast_convert_type3A, %shift_left3A_10 : vector<512x512xi32>
      %bitcast_convert_type3A_12 = tpu.bitcast %shift_left3A_11 : vector<512x512xi32> -> vector<512x512xf32>
      %and3A = arith.constant -65536 : i32
      %and3A_13 = vector.broadcast %and3A : i32 to vector<512x512xi32>
      %and3A_14 = arith.andi %bitcast_convert_type3A, %and3A_13 : vector<512x512xi32>
      %bitcast_convert_type3A_15 = tpu.bitcast %and3A_14 : vector<512x512xi32> -> vector<512x512xf32>
      %convert_element_type3A_16 = arith.truncf %bitcast_convert_type3A_12 : vector<512x512xf32> to vector<512x512xbf16>
      %convert_element_type3A_17 = arith.truncf %bitcast_convert_type3A_15 : vector<512x512xf32> to vector<512x512xbf16>
      %get3A_18 = arith.constant 0 : index
      %get3A_19 = arith.constant 0 : index
      %get3A_20 = arith.constant 0 : index
      %get3A_21 = vector.load %arg3[%get3A_18, %get3A_19, %get3A_20] : memref<1x1024x1024xf32, #tpu.memory_space<vmem>>, vector<1x1024x1024xf32>
      %get3A_22 = vector.shape_cast %get3A_21 : vector<1x1024x1024xf32> to vector<1024x1024xf32>
      %convert_element_type3A_23 = arith.truncf %get3A_22 : vector<1024x1024xf32> to vector<1024x1024xbf16>
      %slice3A = vector.extract_strided_slice %convert_element_type3A_23 {offsets = [0, 0], sizes = [1024, 512], strides = [1, 1]} : vector<1024x1024xbf16> to vector<1024x512xbf16>
      %dot_general3A = arith.constant dense<0.000000e+00> : vector<512x1024xf32>
      %dot_general3A_24 = tpu.matmul %convert_element_type3A_16, %slice3A, %dot_general3A {dimension_numbers = #tpu.dot_dimension_numbers<[1], [1], [0], [0], [0, 0, 1, 0], [], []>, transpose_lhs_hint = false} : vector<512x512xbf16>, vector<1024x512xbf16>, vector<512x1024xf32> -> vector<512x1024xf32>
      %slice3A_25 = vector.extract_strided_slice %convert_element_type3A_23 {offsets = [0, 512], sizes = [1024, 512], strides = [1, 1]} : vector<1024x1024xbf16> to vector<1024x512xbf16>
      %dot_general3A_26 = arith.constant dense<0.000000e+00> : vector<512x1024xf32>
      %dot_general3A_27 = tpu.matmul %convert_element_type3A_17, %slice3A_25, %dot_general3A_26 {dimension_numbers = #tpu.dot_dimension_numbers<[1], [1], [0], [0], [0, 0, 1, 0], [], []>, transpose_lhs_hint = false} : vector<512x512xbf16>, vector<1024x512xbf16>, vector<512x1024xf32> -> vector<512x1024xf32>
      %add3A = arith.addf %dot_general3A_24, %dot_general3A_27 : vector<512x1024xf32>
      %max3A = arith.constant 0.000000e+00 : f32
      %max3A_28 = vector.broadcast %max3A : f32 to vector<512x1024xf32>
      %max3A_29 = arith.maximumf %add3A, %max3A_28 : vector<512x1024xf32>
      %convert_element_type3A_30 = arith.truncf %max3A_29 : vector<512x1024xf32> to vector<512x1024xbf16>
      %get3A_31 = arith.constant 0 : index
      %get3A_32 = arith.constant 0 : index
      %get3A_33 = arith.constant 0 : index
      %get3A_34 = vector.load %arg4[%get3A_31, %get3A_32, %get3A_33] : memref<1x1024x1024xf32, #tpu.memory_space<vmem>>, vector<1x1024x1024xf32>
      %get3A_35 = vector.shape_cast %get3A_34 : vector<1x1024x1024xf32> to vector<1024x1024xf32>
      %convert_element_type3A_36 = arith.truncf %get3A_35 : vector<1024x1024xf32> to vector<1024x1024xbf16>
      %dot_general3A_37 = arith.constant dense<0.000000e+00> : vector<512x1024xf32>
      %dot_general3A_38 = tpu.matmul %convert_element_type3A_30, %convert_element_type3A_36, %dot_general3A_37 {dimension_numbers = #tpu.dot_dimension_numbers<[1], [1], [0], [0], [0, 0, 1, 0], [], []>, transpose_lhs_hint = false} : vector<512x1024xbf16>, vector<1024x1024xbf16>, vector<512x1024xf32> -> vector<512x1024xf32>
      %eq3A_39 = arith.constant 0 : i32
      %eq3A_40 = arith.cmpi eq, %arg1, %eq3A_39 : i32
      %convert_element_type3A_41 = arith.extui %eq3A_40 : i1 to i32
      %cond3A_42 = arith.constant 0 : i32
      %cond3A_43 = arith.cmpi ne, %convert_element_type3A_41, %cond3A_42 : i32
      scf.if %cond3A_43 {
        %swap3A = arith.constant 0 : index
        %swap3A_53 = arith.constant 0 : index
        %swap3A_54 = vector.load %arg6[%swap3A, %swap3A_53] : memref<512x1024xf32, #tpu.memory_space<vmem>>, vector<512x1024xf32>
        tpu.vector_store %arg6[%swap3A, %swap3A_53], %dot_general3A_38 {strides = array<i32>} : memref<512x1024xf32, #tpu.memory_space<vmem>>, vector<512x1024xf32>,
      } else {
      }
      %gt3A = arith.constant 0 : i32
      %gt3A_44 = arith.cmpi sgt, %arg1, %gt3A : i32
      %convert_element_type3A_45 = arith.extui %gt3A_44 : i1 to i32
      %cond3A_46 = arith.constant 0 : i32
      %cond3A_47 = arith.cmpi ne, %convert_element_type3A_45, %cond3A_46 : i32
      scf.if %cond3A_47 {
        %get3A_53 = arith.constant 0 : index
        %get3A_54 = arith.constant 0 : index
        %get3A_55 = vector.load %arg6[%get3A_53, %get3A_54] : memref<512x1024xf32, #tpu.memory_space<vmem>>, vector<512x1024xf32>
        %add3A_56 = arith.addf %get3A_55, %dot_general3A_38 : vector<512x1024xf32>
        %swap3A = arith.constant 0 : index
        %swap3A_57 = arith.constant 0 : index
        %swap3A_58 = vector.load %arg6[%swap3A, %swap3A_57] : memref<512x1024xf32, #tpu.memory_space<vmem>>, vector<512x1024xf32>
        tpu.vector_store %arg6[%swap3A, %swap3A_57], %add3A_56 {strides = array<i32>} : memref<512x1024xf32, #tpu.memory_space<vmem>>, vector<512x1024xf32>,
      } else {
      }
      %eq3A_48 = arith.constant 3 : i32
      %eq3A_49 = arith.cmpi eq, %arg1, %eq3A_48 : i32
      %convert_element_type3A_50 = arith.extui %eq3A_49 : i1 to i32
      %cond3A_51 = arith.constant 0 : i32
      %cond3A_52 = arith.cmpi ne, %convert_element_type3A_50, %cond3A_51 : i32
      scf.if %cond3A_52 {
        %get3A_53 = arith.constant 0 : index
        %get3A_54 = arith.constant 0 : index
        %get3A_55 = vector.load %arg6[%get3A_53, %get3A_54] : memref<512x1024xf32, #tpu.memory_space<vmem>>, vector<512x1024xf32>
        %swap3A = arith.constant 0 : index
        %swap3A_56 = arith.constant 0 : index
        %swap3A_57 = arith.constant 0 : index
        %swap3A_58 = vector.load %arg5[%swap3A, %swap3A_56, %swap3A_57] : memref<1x512x1024xf32, #tpu.memory_space<vmem>>, vector<1x512x1024xf32>
        %swap3A_59 = vector.shape_cast %swap3A_58 : vector<1x512x1024xf32> to vector<512x1024xf32>
        %swap3A_60 = vector.shape_cast %get3A_55 : vector<512x1024xf32> to vector<1x512x1024xf32>
        tpu.vector_store %arg5[%swap3A, %swap3A_56, %swap3A_57], %swap3A_60 {strides = array<i32>} : memref<1x512x1024xf32, #tpu.memory_space<vmem>>, vector<1x512x1024xf32>,
      } else {
      }
    } else {
    }
    %eq3A = arith.constant 8 : i32
    %eq3A_2 = arith.cmpi eq, %arg0, %eq3A : i32
    %convert_element_type3A_3 = arith.extui %eq3A_2 : i1 to i32
    %cond3A_4 = arith.constant 0 : i32
    %cond3A_5 = arith.cmpi ne, %convert_element_type3A_3, %cond3A_4 : i32
    scf.if %cond3A_5 {
      %broadcast_in_dim3A = arith.constant 0.000000e+00 : f32
      %broadcast_in_dim3A_6 = vector.broadcast %broadcast_in_dim3A : f32 to vector<512x1024xf32>
      %swap3A = arith.constant 0 : index
      %swap3A_7 = arith.constant 0 : index
      %swap3A_8 = arith.constant 0 : index
      %swap3A_9 = vector.load %arg5[%swap3A, %swap3A_7, %swap3A_8] : memref<1x512x1024xf32, #tpu.memory_space<vmem>>, vector<1x512x1024xf32>
      %swap3A_10 = vector.shape_cast %swap3A_9 : vector<1x512x1024xf32> to vector<512x1024xf32>
      %swap3A_11 = vector.shape_cast %broadcast_in_dim3A_6 : vector<512x1024xf32> to vector<1x512x1024xf32>
      tpu.vector_store %arg5[%swap3A, %swap3A_7, %swap3A_8], %swap3A_11 {strides = array<i32>} : memref<1x512x1024xf32, #tpu.memory_space<vmem>>, vector<1x512x1024xf32>,
    } else {
    }
    return
  }
  func.func @transform_0(%arg0: i32, %arg1: i32) -> (i32, i32, i32) {
    %min3A = arith.constant 7 : i32
    %min3A_0 = arith.minsi %arg0, %min3A : i32
    %c0_i32 = arith.constant 0 : i32
    %c0_i32_1 = arith.constant 0 : i32
    %c0_i32_2 = arith.constant 0 : i32
    return %min3A_0, %c0_i32, %c0_i32_1 : i32, i32, i32
  }
  func.func @transform_1(%arg0: i32, %arg1: i32) -> (i32, i32, i32) {
    %min3A = arith.constant 7 : i32
    %min3A_0 = arith.minsi %arg0, %min3A : i32
    %lt3A = arith.constant 8 : i32
    %lt3A_1 = arith.cmpi slt, %arg0, %lt3A : i32
    %jit3A = arith.constant 3 : i32
    %select_n3A = arith.select %lt3A_1, %arg1, %jit3A : i32
    %c0_i32 = arith.constant 0 : i32
    %c0_i32_2 = arith.constant 0 : i32
    return %min3A_0, %select_n3A, %c0_i32 : i32, i32, i32
  }
  func.func @transform_2(%arg0: i32, %arg1: i32) -> (i32, i32, i32) {
    %min3A = arith.constant 7 : i32
    %min3A_0 = arith.minsi %arg0, %min3A : i32
    %lt3A = arith.constant 8 : i32
    %lt3A_1 = arith.cmpi slt, %arg0, %lt3A : i32
    %jit3A = arith.constant 3 : i32
    %select_n3A = arith.select %lt3A_1, %arg1, %jit3A : i32
    %c0_i32 = arith.constant 0 : i32
    %c0_i32_2 = arith.constant 0 : i32
    return %min3A_0, %c0_i32, %select_n3A : i32, i32, i32
  }
  func.func @transform_3(%arg0: i32, %arg1: i32) -> (i32, i32, i32) {
    %c0_i32 = arith.constant 0 : i32
    %c0_i32_0 = arith.constant 0 : i32
    %c0_i32_1 = arith.constant 0 : i32
    return %arg0, %c0_i32, %c0_i32_0 : i32, i32, i32
  }
}

module attributes {stable_mosaic.version = 14 : i64} {
  func.func @_router_body(%arg0: i32, %arg1: memref<1024x1024xf32, #tpu.memory_space<vmem>>, %arg2: memref<8x1024xf32, #tpu.memory_space<vmem>>, %arg3: memref<1x1x1024xi32, #tpu.memory_space<vmem>>, %arg4: memref<1024x512xf32, #tpu.memory_space<vmem>>, %arg5: memref<8x1xf32, #tpu.memory_space<vmem>>) attributes {dimension_semantics = [#tpu.dimension_semantics<arbitrary>], iteration_bounds = array<i64: 4>, scalar_prefetch = 0 : i64, scratch_operands = 1 : i64, tpu.core_type = #tpu.core_type<tc>, window_params = [{transform_indices = @transform_0, window_bounds = array<i64: 1024, 1024>}, {pipeline_mode = #tpu.pipeline_mode<synchronous>, transform_indices = @transform_1, window_bounds = array<i64: 8, 1024>}, {transform_indices = @transform_2, window_bounds = array<i64: 1, 1, 1024>}, {transform_indices = @transform_3, window_bounds = array<i64: 1024, 512>}]} {
    %eq3A = arith.constant 0 : i32
    %eq3A_0 = arith.cmpi eq, %arg0, %eq3A : i32
    %convert_element_type3A = arith.extui %eq3A_0 : i1 to i32
    %cond3A = arith.constant 0 : i32
    %cond3A_1 = arith.cmpi ne, %convert_element_type3A, %cond3A : i32
    scf.if %cond3A_1 {
      %broadcast_in_dim3A_88 = arith.constant 0.000000e+00 : f32
      %broadcast_in_dim3A_89 = vector.broadcast %broadcast_in_dim3A_88 : f32 to vector<8x1xf32>
      %swap3A_90 = arith.constant 0 : index
      %swap3A_91 = arith.constant 0 : index
      %swap3A_92 = vector.load %arg5[%swap3A_90, %swap3A_91] : memref<8x1xf32, #tpu.memory_space<vmem>>, vector<8x1xf32>
      tpu.vector_store %arg5[%swap3A_90, %swap3A_91], %broadcast_in_dim3A_89 {strides = array<i32>} : memref<8x1xf32, #tpu.memory_space<vmem>>, vector<8x1xf32>,
    } else {
    }
    %get3A = arith.constant 0 : index
    %get3A_2 = arith.constant 0 : index
    %get3A_3 = vector.load %arg1[%get3A, %get3A_2] : memref<1024x1024xf32, #tpu.memory_space<vmem>>, vector<1024x1024xf32>
    %get3A_4 = arith.constant 0 : index
    %get3A_5 = arith.constant 0 : index
    %get3A_6 = vector.load %arg2[%get3A_4, %get3A_5] : memref<8x1024xf32, #tpu.memory_space<vmem>>, vector<8x1024xf32>
    %dot_general3A = arith.constant dense<0.000000e+00> : vector<8x1024xf32>
    %dot_general3A_7 = tpu.matmul %get3A_6, %get3A_3, %dot_general3A {dimension_numbers = #tpu.dot_dimension_numbers<[1], [1], [0], [0], [0, 0, 1, 0], [], []>, transpose_lhs_hint = false} : vector<8x1024xf32>, vector<1024x1024xf32>, vector<8x1024xf32> -> vector<8x1024xf32>
    %reduce_max3A = arith.constant dense<0xFF800000> : vector<1024xf32>
    %reduce_max3A_8 = vector.multi_reduction <maximumf>, %dot_general3A_7, %reduce_max3A [0] : vector<8x1024xf32> to vector<1024xf32>
    %broadcast_in_dim3A = vector.shape_cast %reduce_max3A_8 : vector<1024xf32> to vector<1x1024xf32>
    %sub3A = vector.broadcast %broadcast_in_dim3A : vector<1x1024xf32> to vector<8x1024xf32>
    %sub3A_9 = arith.subf %dot_general3A_7, %sub3A : vector<8x1024xf32>
    %exp3A = math.exp %sub3A_9 : vector<8x1024xf32>
    %reduce_sum3A = arith.constant dense<0.000000e+00> : vector<1024xf32>
    %reduce_sum3A_10 = vector.multi_reduction <add>, %exp3A, %reduce_sum3A [0] : vector<8x1024xf32> to vector<1024xf32>
    %iota3A = tpu.iota {dimensions = array<i32: 0>} : vector<8x1024xi32>
    %eq3A_11 = vector.broadcast %broadcast_in_dim3A : vector<1x1024xf32> to vector<8x1024xf32>
    %eq3A_12 = arith.cmpf oeq, %dot_general3A_7, %eq3A_11 : vector<8x1024xf32>
    %jit3A = arith.constant 8 : i32
    %broadcast_in_dim3A_13 = vector.broadcast %jit3A : i32 to vector<8x1024xi32>
    %select_n3A = arith.select %eq3A_12, %iota3A, %broadcast_in_dim3A_13 : vector<8x1024xi1>, vector<8x1024xi32>
    %reduce_min3A = arith.constant dense<2147483647> : vector<1024xi32>
    %reduce_min3A_14 = vector.multi_reduction <minsi>, %select_n3A, %reduce_min3A [0] : vector<8x1024xi32> to vector<1024xi32>
    %broadcast_in_dim3A_15 = vector.shape_cast %reduce_min3A_14 : vector<1024xi32> to vector<1x1024xi32>
    %eq3A_16 = vector.broadcast %broadcast_in_dim3A_15 : vector<1x1024xi32> to vector<8x1024xi32>
    %eq3A_17 = arith.cmpi eq, %iota3A, %eq3A_16 : vector<8x1024xi32>
    %iota3A_18 = tpu.iota {dimensions = array<i32: 0>} : vector<1024x1024xi32>
    %iota3A_19 = tpu.iota {dimensions = array<i32: 1>} : vector<1024x1024xi32>
    %le3A = arith.cmpi sle, %iota3A_18, %iota3A_19 : vector<1024x1024xi32>
    %convert_element_type3A_20 = arith.extui %le3A : vector<1024x1024xi1> to vector<1024x1024xi32>
    %convert_element_type3A_21 = arith.sitofp %convert_element_type3A_20 : vector<1024x1024xi32> to vector<1024x1024xf32>
    %convert_element_type3A_22 = arith.truncf %convert_element_type3A_21 : vector<1024x1024xf32> to vector<1024x1024xbf16>
    %convert_element_type3A_23 = arith.extui %eq3A_17 : vector<8x1024xi1> to vector<8x1024xi32>
    %convert_element_type3A_24 = arith.sitofp %convert_element_type3A_23 : vector<8x1024xi32> to vector<8x1024xf32>
    %convert_element_type3A_25 = arith.truncf %convert_element_type3A_24 : vector<8x1024xf32> to vector<8x1024xbf16>
    %dot_general3A_26 = arith.constant dense<0.000000e+00> : vector<8x1024xf32>
    %dot_general3A_27 = tpu.matmul %convert_element_type3A_25, %convert_element_type3A_22, %dot_general3A_26 {dimension_numbers = #tpu.dot_dimension_numbers<[1], [0], [0], [1], [0, 0, 1, 1], [], []>, transpose_lhs_hint = false} : vector<8x1024xbf16>, vector<1024x1024xbf16>, vector<8x1024xf32> -> vector<8x1024xf32>
    %convert_element_type3A_28 = arith.extui %eq3A_17 : vector<8x1024xi1> to vector<8x1024xi32>
    %convert_element_type3A_29 = arith.sitofp %convert_element_type3A_28 : vector<8x1024xi32> to vector<8x1024xf32>
    %mul3A = arith.mulf %dot_general3A_27, %convert_element_type3A_29 : vector<8x1024xf32>
    %reduce_sum3A_30 = arith.constant dense<0.000000e+00> : vector<1024xf32>
    %reduce_sum3A_31 = vector.multi_reduction <add>, %mul3A, %reduce_sum3A_30 [0] : vector<8x1024xf32> to vector<1024xf32>
    %sub3A_32 = arith.constant 1.000000e+00 : f32
    %sub3A_33 = vector.broadcast %sub3A_32 : f32 to vector<1024xf32>
    %sub3A_34 = arith.subf %reduce_sum3A_31, %sub3A_33 : vector<1024xf32>
    %get3A_35 = arith.constant 0 : index
    %get3A_36 = arith.constant 0 : index
    %get3A_37 = vector.load %arg5[%get3A_35, %get3A_36] : memref<8x1xf32, #tpu.memory_space<vmem>>, vector<8x1xf32>
    %mul3A_38 = vector.broadcast %get3A_37 : vector<8x1xf32> to vector<8x1024xf32>
    %mul3A_39 = arith.mulf %mul3A_38, %convert_element_type3A_29 : vector<8x1024xf32>
    %reduce_sum3A_40 = arith.constant dense<0.000000e+00> : vector<1024xf32>
    %reduce_sum3A_41 = vector.multi_reduction <add>, %mul3A_39, %reduce_sum3A_40 [0] : vector<8x1024xf32> to vector<1024xf32>
    %add3A = arith.addf %sub3A_34, %reduce_sum3A_41 : vector<1024xf32>
    %convert_element_type3A_42 = arith.fptosi %add3A : vector<1024xf32> to vector<1024xi32>
    %reduce_sum3A_43 = arith.constant dense<0.000000e+00> : vector<8xf32>
    %reduce_sum3A_44 = vector.multi_reduction <add>, %convert_element_type3A_29, %reduce_sum3A_43 [1] : vector<8x1024xf32> to vector<8xf32>
    %broadcast_in_dim3A_45 = vector.shape_cast %reduce_sum3A_44 : vector<8xf32> to vector<8x1xf32>
    %add3A_46 = arith.addf %get3A_37, %broadcast_in_dim3A_45 : vector<8x1xf32>
    %swap3A = arith.constant 0 : index
    %swap3A_47 = arith.constant 0 : index
    %swap3A_48 = vector.load %arg5[%swap3A, %swap3A_47] : memref<8x1xf32, #tpu.memory_space<vmem>>, vector<8x1xf32>
    tpu.vector_store %arg5[%swap3A, %swap3A_47], %add3A_46 {strides = array<i32>} : memref<8x1xf32, #tpu.memory_space<vmem>>, vector<8x1xf32>,
    %lt3A = arith.constant 512 : i32
    %lt3A_49 = vector.broadcast %lt3A : i32 to vector<1024xi32>
    %lt3A_50 = arith.cmpi slt, %convert_element_type3A_42, %lt3A_49 : vector<1024xi32>
    %mul3A_51 = arith.constant 512 : i32
    %mul3A_52 = vector.broadcast %mul3A_51 : i32 to vector<1024xi32>
    %mul3A_53 = arith.muli %reduce_min3A_14, %mul3A_52 : vector<1024xi32>
    %add3A_54 = arith.addi %mul3A_53, %convert_element_type3A_42 : vector<1024xi32>
    %jit3A_55 = arith.constant 4096 : i32
    %broadcast_in_dim3A_56 = vector.broadcast %jit3A_55 : i32 to vector<1024xi32>
    %select_n3A_57 = arith.select %lt3A_50, %add3A_54, %broadcast_in_dim3A_56 : vector<1024xi1>, vector<1024xi32>
    %reshape3A = vector.shape_cast %select_n3A_57 : vector<1024xi32> to vector<1x1x1024xi32>
    %swap3A_58 = arith.constant 0 : index
    %swap3A_59 = arith.constant 0 : index
    %swap3A_60 = arith.constant 0 : index
    %swap3A_61 = vector.load %arg3[%swap3A_58, %swap3A_59, %swap3A_60] : memref<1x1x1024xi32, #tpu.memory_space<vmem>>, vector<1x1x1024xi32>
    tpu.vector_store %arg3[%swap3A_58, %swap3A_59, %swap3A_60], %reshape3A {strides = array<i32>} : memref<1x1x1024xi32, #tpu.memory_space<vmem>>, vector<1x1x1024xi32>,
    %div3A = arith.constant 1.000000e+00 : f32
    %div3A_62 = vector.broadcast %div3A : f32 to vector<1024xf32>
    %div3A_63 = arith.divf %div3A_62, %reduce_sum3A_10 : vector<1024xf32>
    %broadcast_in_dim3A_64 = vector.shape_cast %div3A_63 : vector<1024xf32> to vector<1024x1xf32>
    %mul3A_65 = vector.broadcast %broadcast_in_dim3A_64 : vector<1024x1xf32> to vector<1024x1024xf32>
    %mul3A_66 = arith.mulf %get3A_3, %mul3A_65 : vector<1024x1024xf32>
    %bitcast_convert_type3A = tpu.bitcast %mul3A_66 : vector<1024x1024xf32> -> vector<1024x1024xi32>
    %add3A_67 = arith.constant 32767 : i32
    %add3A_68 = vector.broadcast %add3A_67 : i32 to vector<1024x1024xi32>
    %add3A_69 = arith.addi %bitcast_convert_type3A, %add3A_68 : vector<1024x1024xi32>
    %shift_right_arithmetic3A = arith.constant 16 : i32
    %shift_right_arithmetic3A_70 = vector.broadcast %shift_right_arithmetic3A : i32 to vector<1024x1024xi32>
    %shift_right_arithmetic3A_71 = arith.shrsi %bitcast_convert_type3A, %shift_right_arithmetic3A_70 : vector<1024x1024xi32>
    %and3A = arith.constant 1 : i32
    %and3A_72 = vector.broadcast %and3A : i32 to vector<1024x1024xi32>
    %and3A_73 = arith.andi %shift_right_arithmetic3A_71, %and3A_72 : vector<1024x1024xi32>
    %add3A_74 = arith.addi %add3A_69, %and3A_73 : vector<1024x1024xi32>
    %shift_right_arithmetic3A_75 = arith.constant 16 : i32
    %shift_right_arithmetic3A_76 = vector.broadcast %shift_right_arithmetic3A_75 : i32 to vector<1024x1024xi32>
    %shift_right_arithmetic3A_77 = arith.shrsi %add3A_74, %shift_right_arithmetic3A_76 : vector<1024x1024xi32>
    %slice3A = vector.extract_strided_slice %shift_right_arithmetic3A_77 {offsets = [0, 0], sizes = [1024, 512], strides = [1, 1]} : vector<1024x1024xi32> to vector<1024x512xi32>
    %and3A_78 = arith.constant 65535 : i32
    %and3A_79 = vector.broadcast %and3A_78 : i32 to vector<1024x512xi32>
    %and3A_80 = arith.andi %slice3A, %and3A_79 : vector<1024x512xi32>
    %slice3A_81 = vector.extract_strided_slice %shift_right_arithmetic3A_77 {offsets = [0, 512], sizes = [1024, 512], strides = [1, 1]} : vector<1024x1024xi32> to vector<1024x512xi32>
    %shift_left3A = arith.constant 16 : i32
    %shift_left3A_82 = vector.broadcast %shift_left3A : i32 to vector<1024x512xi32>
    %shift_left3A_83 = arith.shli %slice3A_81, %shift_left3A_82 : vector<1024x512xi32>
    %or3A = arith.ori %shift_left3A_83, %and3A_80 : vector<1024x512xi32>
    %bitcast_convert_type3A_84 = tpu.bitcast %or3A : vector<1024x512xi32> -> vector<1024x512xf32>
    %swap3A_85 = arith.constant 0 : index
    %swap3A_86 = arith.constant 0 : index
    %swap3A_87 = vector.load %arg4[%swap3A_85, %swap3A_86] : memref<1024x512xf32, #tpu.memory_space<vmem>>, vector<1024x512xf32>
    tpu.vector_store %arg4[%swap3A_85, %swap3A_86], %bitcast_convert_type3A_84 {strides = array<i32>} : memref<1024x512xf32, #tpu.memory_space<vmem>>, vector<1024x512xf32>,
    return
  }
  func.func @transform_0(%arg0: i32) -> (i32, i32) {
    %c0_i32 = arith.constant 0 : i32
    %c0_i32_0 = arith.constant 0 : i32
    return %arg0, %c0_i32 : i32, i32
  }
  func.func @transform_1(%arg0: i32) -> (i32, i32) {
    %c0_i32 = arith.constant 0 : i32
    %c0_i32_0 = arith.constant 0 : i32
    %c0_i32_1 = arith.constant 0 : i32
    return %c0_i32, %c0_i32_0 : i32, i32
  }
  func.func @transform_2(%arg0: i32) -> (i32, i32, i32) {
    %c0_i32 = arith.constant 0 : i32
    %c0_i32_0 = arith.constant 0 : i32
    %c0_i32_1 = arith.constant 0 : i32
    return %arg0, %c0_i32, %c0_i32_0 : i32, i32, i32
  }
  func.func @transform_3(%arg0: i32) -> (i32, i32) {
    %c0_i32 = arith.constant 0 : i32
    %c0_i32_0 = arith.constant 0 : i32
    return %arg0, %c0_i32 : i32, i32
  }
}

</mosaic_0001>

<sc_bundles>
// kernel: kernel.6.cloned.1.call-start
scs
__scs_entry_jumppad:
0x0: {  	(pc) =	sbr.rel $0x88, $3  }
0x1: {  	(tag) =	ssettag $0x0;
	lr =	simm.s32 $0x1  }
0x2: {  	[smem:$0x3F9D] =	sst lr;
	_ =	strace $0xD0000000  }
0x3: {  	_ = 	snop  }
0x4: {  	_ = 	snop  }
0x5: {  	_ = 	snop  }
0x6: {  	_ = 	snop  }
0x7: {  	_ = 	snop  }
__scs_overlays_trampoline_lowered:
0x8: {  	[smem:$0x3FAC] =	sst s0  }
0x9: {  	[smem:$0x3FAD] =	sst s1  }
0xa: {  	[smem:$0x3FAE] =	sst s2  }
0xb: {  	[smem:$0x3FAF] =	sst s3  }
0xc: {  	[smem:$0x3FB0] =	sst s4  }
0xd: {  	[smem:$0x3FB1] =	sst s5  }
0xe: {  	[smem:$0x3FB2] =	sst s6  }
0xf: {  	[smem:$0x3FB3] =	sst s7  }
0x10: {  	[smem:$0x3FB4] =	sst s8  }
0x11: {  	[smem:$0x3FB5] =	sst s9;
	s0 =	simm.s32 @!p0 $0x0  }
0x12: {  	s1 =	sld [smem:$0x3F9B];
	s0 =	simm.s32 @p0 $0x1  }
0x13: {  	[smem:$0x3FB6] =	sst s0;
	s0 =	simm.s32 @!p1 $0x0  }
0x14: {  	s2 =	sld [smem:$0x3F9A];
	s0 =	simm.s32 @p1 $0x1  }
0x15: {  	[smem:$0x3FB7] =	sst s0;
	s0 =	simm.s32 @!p2 $0x0  }
0x16: {  	s3 =	sld [smem:$0x3FDB];
	s0 =	simm.s32 @p2 $0x1  }
0x17: {  	s4 =	simm.s32 $0x1BF5;
	[smem:$0x3FB9] =	sst s0  }
0x18: {  	s0 =	sld [smem:$0x3F9C];
	_ =	swait.ge [sflag:s4], $0x0  }
0x19: {  	s7 =	sld [smem:$0x3F9D]  }
0x1a: {  	s8 =	sadd.s32 $0xFFFFE003, lr  }
0x1b: {  	s9 =	sadd.s32 $0xFFFFFEF7, lr;
	s5 =	simm.s32 $0xFFFFFFFF;
	p2 =	slt.u32 s8, $0xFFFFF086  }
0x1c: {  	p1 =	slt.u32 s9, $0xF7A;
	s5 =	simm.s32 @!p2 $0x0  }
0x1d: {  	s5 =	simm.s32 @p1 $0x1;
	p0 =	seq.s32 s7, s2  }
0x1e: {  	s7 =	smul.u32 @!p0 $0xF7A, s2;
	p2 =	seq.s32 @!p0 s5, $0x0  }
0x1f: {  	s9 =	smul.u32 $0xF7A, s1;
	s8 =	simm.s32 @!p0 $0x1BF5;
	p2 =	por !p2, p0  }
0x20: {  	[sflag:s8] =	ssyncset.s32 @!p0 $0xFFFFF086;
	s6 =	sadd.s32 @!p0 s3, s7;
	s7 =	simm.s32 @!p0 $0x108  }
0x21: {  	s3 =	sadd.s32 s3, s9;
	s6 =	sadd.s32 @!p0 $0x88, s6;
	s7 =	simm.s32 @p2 $0x1082  }
0x22: {  	[simem:s7], [sflag:s8] =	dma.local @!p0 [hbm:s6], $0xF7A  }
0x23: {  	s9 =	sor.u32 $0xD0000000, s2;
	s6 =	simm.s32 $0x108;
	_ =	swait.ge @!p0 [sflag:s8], $0x0  }
0x24: {  	s3 =	sadd.s32 $0x88, s3;
	s6 =	simm.s32 @!p1 $0x1082;
	[sflag:s4] =	ssyncset.s32 $0xFFFFF086  }
0x25: {  	[simem:s6], [sflag:s4] =	dma.local [hbm:s3], $0xF7A  }
0x26: {  	[smem:$0x3F9D] =	sst s1;
	(tag) =	ssettag s2;
	_ =	strace s9  }
0x27: {  	s1 =	sld [smem:$0x3FAD]  }
0x28: {  	s2 =	sld [smem:$0x3FAE]  }
0x29: {  	s4 =	sld [smem:$0x3FB0]  }
0x2a: {  	p0 =	seq.s32 s5, $0x0;
	s5 =	sld [smem:$0x3FB1]  }
0x2b: {  	s6 =	sld [smem:$0x3FB2]  }
0x2c: {  	s7 =	sld [smem:$0x3FB3]  }
0x2d: {  	s3 =	simm.s32 $0x108;
	s8 =	sld [smem:$0x3FB4]  }
0x2e: {  	s3 =	simm.s32 @!p0 $0x1082;
	s9 =	sld [smem:$0x3FB5]  }
0x2f: {  	lr =	sadd.s32 s0, s3;
	s0 =	sld [smem:$0x3FAC]  }
0x30: {  	s3 =	sld [smem:$0x3FAF]  }
0x31: {  	[smem:$0x3FB8] =	sst s10  }
0x32: {  	s10 =	sld [smem:$0x3FB6];
	_ =	sdelay $0x3  }
0x33: {  	p0 =	seq.s32 s10, $0x1;
	s10 =	sld [smem:$0x3FB8];
	_ =	sdelay $0x3  }
0x34: {  	[smem:$0x3FB8] =	sst s10  }
0x35: {  	s10 =	sld [smem:$0x3FB7];
	_ =	sdelay $0x3  }
0x36: {  	p1 =	seq.s32 s10, $0x1;
	s10 =	sld [smem:$0x3FB8];
	_ =	sdelay $0x3  }
0x37: {  	[smem:$0x3FB8] =	sst s10  }
0x38: {  	s10 =	sld [smem:$0x3FB9]  }
0x39: {  	_ = 	snop;
	(pc) =	sbr.ind lr, $3  }
0x3a: {  	_ = 	snop  }
0x3b: {  	_ = 	snop  }
0x3c: {  	p2 =	seq.s32 s10, $0x1;
	s10 =	sld [smem:$0x3FB8]  }
0x3d: {  	_ =	shalt  }
0x3e: {  	_ =	shalt  }
0x3f: {  	_ =	shalt  }
0x40: {  	_ =	shalt  }
0x41: {  	_ =	shalt  }
0x42: {  	_ =	shalt  }
0x43: {  	_ =	shalt  }
0x44: {  	_ =	shalt  }
0x45: {  	_ =	shalt  }
0x46: {  	_ =	shalt  }
0x47: {  	_ =	shalt  }
0x48: {  	_ =	shalt  }
0x49: {  	_ =	shalt  }
0x4a: {  	_ =	shalt  }
0x4b: {  	_ =	shalt  }
0x4c: {  	_ =	shalt  }
0x4d: {  	_ =	shalt  }
0x4e: {  	_ =	shalt  }
0x4f: {  	_ =	shalt  }
0x50: {  	_ =	shalt  }
0x51: {  	_ =	shalt  }
0x52: {  	_ =	shalt  }
0x53: {  	_ =	shalt  }
0x54: {  	_ =	shalt  }
0x55: {  	_ =	shalt  }
0x56: {  	_ =	shalt  }
0x57: {  	_ =	shalt  }
0x58: {  	_ =	shalt  }
0x59: {  	_ =	shalt  }
0x5a: {  	_ =	shalt  }
0x5b: {  	_ =	shalt  }
0x5c: {  	_ =	shalt  }
0x5d: {  	_ =	shalt  }
0x5e: {  	_ =	shalt  }
0x5f: {  	_ =	shalt  }
0x60: {  	_ =	shalt  }
0x61: {  	_ =	shalt  }
0x62: {  	_ =	shalt  }
0x63: {  	_ =	shalt  }
0x64: {  	_ =	shalt  }
0x65: {  	_ =	shalt  }
0x66: {  	_ =	shalt  }
0x67: {  	_ =	shalt  }
0x68: {  	_ =	shalt  }
0x69: {  	_ =	shalt  }
0x6a: {  	_ =	shalt  }
0x6b: {  	_ =	shalt  }
0x6c: {  	_ =	shalt  }
0x6d: {  	_ =	shalt  }
0x6e: {  	_ =	shalt  }
0x6f: {  	_ =	shalt  }
0x70: {  	_ =	shalt  }
0x71: {  	_ =	shalt  }
0x72: {  	_ =	shalt  }
0x73: {  	_ =	shalt  }
0x74: {  	_ =	shalt  }
0x75: {  	_ =	shalt  }
0x76: {  	_ =	shalt  }
0x77: {  	_ =	shalt  }
0x78: {  	_ =	shalt  }
0x79: {  	_ =	shalt  }
0x7a: {  	_ =	shalt  }
0x7b: {  	_ =	shalt  }
0x7c: {  	_ =	shalt  }
0x7d: {  	_ =	shalt  }
0x7e: {  	_ =	shalt  }
0x7f: {  	_ =	shalt  }
0x80: {  	_ =	shalt  }
0x81: {  	_ =	shalt  }
0x82: {  	_ =	shalt  }
0x83: {  	_ =	shalt  }
0x84: {  	_ =	shalt  }
0x85: {  	_ =	shalt  }
0x86: {  	_ =	shalt  }
0x87: {  	_ =	shalt  }
.Lfunc_end0:
.L_simem_size_0:
called_computation_lowered:
.L_overlay_start_0:
0x88: {  	s2 =	sld [smem:$0x3FD9]  }
0x89: {  	s3 =	sld [smem:$0x3FFE];
	_ =	sdelay $0x1  }
0x8a: {  	s1 =	srdreg.scid  }
0x8b: {  	s0 =	sand.u32 $0x1, s1  }
0x8c: {  	s17 =	sshll.u32 s0, $0xA;
	s2 =	sadd.s32 s3, s2  }
0x8d: {  	s2 =	sadd.s32 s2, s17  }
0x8e: {  	[smem:$0x3FC4] =	sst s2  }
0x8f: {  	_ = 	snop  }
0x90: {  	s2 =	sld [smem:$0x3FD0];
	(tm) =	ssettm $0x1  }
0x91: {  	s18 =	sld [smem:$0x3FFB];
	_ =	sdelay $0x3  }
0x92: {  	_ =	strace s18  }
0x93: {  	s3 =	sld [smem:$0x3FFC];
	_ =	sdelay $0x3  }
0x94: {  	_ =	strace s3  }
0x95: {  	s3 =	sld [smem:$0x3FFD];
	_ =	sdelay $0x3  }
0x96: {  	_ =	strace s3  }
0x97: {  	_ =	strace $0x8FFFFFFF  }
0x98: {  	s19 =	sld [smem:$0x3FDB];
	_ =	sdelay $0x1  }
0x99: {  	s4 =	simm.s32 $_scs_section_size  }
0x9a: {  	s5 =	simm.s32 $_size__tile_overlayer_lowered;
	s6 =	simm.s32 $_tile_overlayer_lowered  }
0x9b: {  	s22 =	simm.s32 $0x1BFF;
	s21 =	sshll.u32 s6, $0x1;
	s3 =	sadd.s32 s4, s19  }
0x9c: {  	s7 =	simm.s32 $0x0;
	s20 =	sshll.u32 s5, $0x1;
	s5 =	sadd.s32 s21, s3  }
0x9d: {  	[timem:s7], [sflag:s22] =	dma.local [hbm:s5], s20  }
0x9e: {  	_ =	swait.ge [sflag:s22], s20  }
0x9f: {  	s4 =	ssub.s32 $0x0, s20;
	[sflag:s22] =	ssyncset.done $0x0  }
0xa0: {  	[sflag:s22] =	ssyncadd.s32 s4;
	_ =	sdelay $0x1  }
0xa1: {  	s23 =	simm.s32 $0x1B8B  }
0xa2: {  	_ =	swait.ge [sflag:s23], $0x1  }
0xa3: {  	[sflag:s23] =	ssyncset.done $0x0  }
0xa4: {  	s25 =	simm.s32 $0x1B8E;
	s24 =	sld [smem:$0x3FFE];
	[sflag:s23] =	ssyncadd.s32 $0xFFFFFFFF  }
0xa5: {  	s26 =	simm.s32 $execute0_lowered;
	[smem:$0x3FD2] =	sst s25  }
0xa6: {  	s5 =	sshll.u32 s26, $0x1;
	_ =	strace $0x80000046;
	[dreg:$0x1] =	wrdreg $0xFFFFFFFF  }
0xa7: {  	s28 =	simm.s32 $_size_execute0_lowered;
	s3 =	sadd.s32 s3, s5;
	[dreg:$0x0] =	wrdreg $0x0  }
0xa8: {  	s5 =	sshll.u32 s28, $0x1;
	[dreg:$0x2] =	wrdreg s3  }
0xa9: {  	[dreg:$0x3] =	wrdreg s5  }
0xaa: {  	[dreg:$0x4] =	wrdreg $0xC0  }
0xab: {  	_ =	task [dreg:s7], $0x5FFFF  }
0xac: {  	[dreg:$0x1] =	wrdreg $0xFFFFFFFF  }
0xad: {  	[dreg:$0x0] =	wrdreg $0x60  }
0xae: {  	[dreg:$0x2] =	wrdreg s24  }
0xaf: {  	[dreg:$0x3] =	wrdreg s2  }
0xb0: {  	[dreg:$0x4] =	wrdreg $0x9  }
0xb1: {  	_ =	task.clear_ibuf [dreg:s7], $0x5FFFF;
	_ =	strace $0x90000046  }
0xb2: {  	s29 =	simm.s32 $0x9;
	_ =	strace $0x80000048  }
0xb3: {  	_ =	swait.ge [sflag:s29], $0x1  }
0xb4: {  	[sflag:s29] =	ssyncadd.s32 $0xFFFFFFFF  }
0xb5: {  	_ =	strace $0x90000048  }
0xb6: {  	_ =	sfence  }
0xb7: {  	s30 =	sld [smem:$0x0];
	_ =	sdelay $0x2  }
0xb8: {  	s31 =	sshll.u32 s1, $0xD;
	s1 =	sshrl.u32 s1, $0x2  }
0xb9: {  	s3 =	sand.u32 $0x4000, s31;
	s1 =	sadd.s32 s1, s30  }
0xba: {  	s0 =	sor.u32 s3, s0;
	s1 =	sshll.u32 s1, $0x11  }
0xbb: {  	s0 =	sor.u32 s1, s0  }
0xbc: {  	s0 =	sadd.s32 $0x8F2B, s0  }
0xbd: {  	[sflag:s0] =	ssyncadd.remote.s32 $0x1  }
0xbe: {  	_ =	sfence.sel $0xFFFF  }
0xbf: {  	[dreg:$0x0] =	wrdreg $0xFFFFFFFF;
	(pc) =	sbr.abs _section_cstart, $3  }
0xc0: {  	[dreg:$0x1] =	wrdreg $0xFFFFFFFF  }
0xc1: {  	_ =	task.clear_ibuf [dreg:s7], $0x2FFFF;
	_ =	strace $0x9FFFFFFF  }
0xc2: {  	(tm) =	ssettm $0x7FFFFFFF  }
0xc3: {  	_ =	shalt  }
tec
execute0_lowered:
.L_overlay_start_1:
0x0: {  	(tag) =	ssettag $0x1  }
0x1: {  	s1 =	srdreg.scid;
	s4 =	rddreg [dreg:$0x0]  }
0x2: {  	s0 =	stileid.u32;
	s2 =	rddreg [dreg:$0x1]  }
0x3: {  	s17 =	simm.s32 $0x880;
	s18 =	simm.s32 $0x1080;
	s20 =	simm.s32 $0x1880  }
0x4: {  	s21 =	simm.s32 $0x2080;
	s22 =	simm.s32 $0x2880;
	s23 =	simm.s32 $0x3080  }
0x5: {  	s24 =	simm.s32 $0x3880;
	s7 =	simm.s32 $0x3;
	s25 =	simm.s32 $0x4080  }
0x6: {  	s8 =	simm.s32 $0x1;
	s26 =	simm.s32 $0x4880;
	s1 =	sand.u32 $0x1, s1  }
0x7: {  	s10 =	simm.s32 $0x5880;
	s3 =	sshll.u32 s0, $0x8;
	s5 =	sshll.u32 s1, $0x7  }
0x8: {  	s11 =	simm.s32 $0x6080;
	s5 =	sor.u32 s5, s3;
	s3 =	simm.s32 $0x0  }
0x9: {  	s12 =	simm.s32 $0x6880;
	s13 =	simm.s32 $0x7080;
	[smem:$0x7FF] =	sst s3  }
0xa: {  	s14 =	simm.s32 $0x7880;
	_ =	strace $0x80000047;
	[dreg:$0x5] =	wrdreg s17  }
0xb: {  	s15 =	simm.s32 $0x8080;
	s28 =	simm.s32 $0xE080;
	[dreg:$0x6] =	wrdreg s18  }
0xc: {  	s29 =	simm.s32 $0xE880;
	s30 =	simm.s32 $0xF080;
	[dreg:$0x7] =	wrdreg s20  }
0xd: {  	s31 =	simm.s32 $0xF880;
	s1 =	ssub.s32 $0x2, s1;
	[dreg:$0x8] =	wrdreg s21  }
0xe: {  	s19 =	sshrl.u32 s1, $0x1;
	s6 =	sshll.u32 s5, $0x6;
	[dreg:$0x9] =	wrdreg s22  }
0xf: {  	s5 =	sshrl.u32 s5, $0x3;
	s1 =	ssub.s32 s1, s19;
	[dreg:$0xa] =	wrdreg s23  }
0x10: {  	s19 =	simm.s32 $0xA080;
	s6 =	sadd.s32 s6, s4;
	[dreg:$0xb] =	wrdreg s24  }
0x11: {  	s4 =	sadd.s32 s5, s4;
	s5 =	smax.u32 s1, $0x1;
	[dreg:$0xc] =	wrdreg s25  }
0x12: {  	[dreg:$0xd] =	wrdreg s26;
	s17 =	simm.s32 $0x9080;
	s18 =	simm.s32 $0x9880  }
0x13: {  	s20 =	simm.s32 $0xA880;
	s21 =	simm.s32 $0xB080;
	s22 =	simm.s32 $0xB880  }
0x14: {  	s23 =	simm.s32 $0xC080;
	s24 =	simm.s32 $0xC880;
	s25 =	simm.s32 $0xD080  }
0x15: {  	v2 =	vlaneseq.u32;
	s26 =	simm.s32 $0xD880;
	s1 =	simm.s32 $0x2;
	s16 =	sadd.s32 $0x1200, s6  }
0x16: {  	vm0 =	vmmov $0xffff;
	v1 =	vshrl.u32 v2, $0x3;
	s4 =	sadd.s32 $0x41200, s4;
	s6 =	simm.s32 $0x80;
	[dreg:$0x3] =	wrdreg s16  }
0x17: {  	v0 =	vand.u32 $0x7, v2;
	v2 =	vor.u32 $0x8, v2;
	v1 =	vmul.u32 $0x8, v1;
	[dreg:$0x4] =	wrdreg s4;
	s4 =	sadd.s32 $0x100, s2;
	s16 =	simm.s32 $0x8880  }
.LBB2_1:
0x18: {  	s0 =	rddreg [dreg:$0x3]  }
0x19: {  	[tilespmem:s6], [sflag:$0x1] =	stream.linear.gather [hbm4b:s0+s3], $0x10000, $0x38;
	[tilespmem:$0x10080] =	vst v63  }
0x1a: {  	s9 =	rddreg [dreg:$0x4]  }
0x1b: {  	[tilespmem:s3], [sflag:$0x3] =	stream.linear.gather [hbm4b:s9+s3], $0x80, $0x38;
	[tilespmem:$0x10080] =	vst v63  }
0x1c: {  	_ =	swait.ge [sflag:s7], $0x80  }
0x1d: {  	[sflag:s7] =	ssyncset.done $0x0  }
0x1e: {  	[sflag:s7] =	ssyncadd.s32 $0xFFFFFF80  }
0x1f: {  	_ =	swait.ge [sflag:s8], $0x10000  }
0x20: {  	[sflag:s8] =	ssyncset.done $0x0  }
0x21: {  	[sflag:s8] =	ssyncadd.s32 $0xFFFF0000  }
0x22: {  	v3 =	vld [tilespmem:$0x0];
	_ =	sdelay $0x4  }
0x23: {  	v4 =	vshll.u32 v3, $0x2  }
0x24: {  	v3 =	vand.u32 $0x7, v3;
	v4 =	vand.u32 $0xFFFFFFE0, v4  }
0x25: {  	v3 =	vor.u32 v3, v4  }
0x26: {  	v4 =	vperm.xlane v3, v0;
	_ =	sdelay $0x1  }
0x27: {  	v4 =	vadd.s32 v1, v4;
	_ =	sdelay $0x1  }
0x28: {  	v3 =	vperm.xlane v3, v2;
	_ =	sdelay $0x1  }
0x29: {  	v3 =	vadd.s32 v1, v3  }
0x2a: {  	[hbm4b:s2+s3] =	stream.indirect_vreg.scatter [tilespmem:s6], [sflag:$0x2], $0x80, v4, vm0, $0xb8;
	[tilespmem:$0x10080] =	vst v63  }
0x2b: {  	s0 =	rddreg [dreg:$0x5]  }
0x2c: {  	[hbm4b:s4+s3] =	stream.indirect_vreg.scatter [tilespmem:s0], [sflag:$0x2], $0x80, v4, vm0, $0xb8;
	[tilespmem:$0x10080] =	vst v63  }
0x2d: {  	s9 =	rddreg [dreg:$0x6]  }
0x2e: {  	[hbm4b:s2+s3] =	stream.indirect_vreg.scatter [tilespmem:s9], [sflag:$0x2], $0x80, v3, vm0, $0xb8;
	[tilespmem:$0x10080] =	vst v63  }
0x2f: {  	s0 =	rddreg [dreg:$0x7]  }
0x30: {  	[hbm4b:s4+s3] =	stream.indirect_vreg.scatter [tilespmem:s0], [sflag:$0x2], $0x80, v3, vm0, $0xb8;
	[tilespmem:$0x10080] =	vst v63  }
0x31: {  	v3 =	vld [tilespmem:$0x10];
	_ =	sdelay $0x4  }
0x32: {  	v57 =	vshll.u32 v3, $0x2  }
0x33: {  	v3 =	vand.u32 $0x7, v3;
	v4 =	vand.u32 $0xFFFFFFE0, v57  }
0x34: {  	v3 =	vor.u32 v3, v4  }
0x35: {  	v4 =	vperm.xlane v3, v0;
	_ =	sdelay $0x1  }
0x36: {  	v4 =	vadd.s32 v1, v4;
	_ =	sdelay $0x1  }
0x37: {  	v3 =	vperm.xlane v3, v2;
	_ =	sdelay $0x1  }
0x38: {  	s0 =	rddreg [dreg:$0x8];
	v3 =	vadd.s32 v1, v3  }
0x39: {  	[hbm4b:s2+s3] =	stream.indirect_vreg.scatter [tilespmem:s0], [sflag:$0x2], $0x80, v4, vm0, $0xb8;
	[tilespmem:$0x10080] =	vst v63  }
0x3a: {  	s9 =	rddreg [dreg:$0x9]  }
0x3b: {  	[hbm4b:s4+s3] =	stream.indirect_vreg.scatter [tilespmem:s9], [sflag:$0x2], $0x80, v4, vm0, $0xb8;
	[tilespmem:$0x10080] =	vst v63  }
0x3c: {  	s0 =	rddreg [dreg:$0xa]  }
0x3d: {  	[hbm4b:s2+s3] =	stream.indirect_vreg.scatter [tilespmem:s0], [sflag:$0x2], $0x80, v3, vm0, $0xb8;
	[tilespmem:$0x10080] =	vst v63  }
0x3e: {  	s9 =	rddreg [dreg:$0xb]  }
0x3f: {  	[hbm4b:s4+s3] =	stream.indirect_vreg.scatter [tilespmem:s9], [sflag:$0x2], $0x80, v3, vm0, $0xb8;
	[tilespmem:$0x10080] =	vst v63  }
0x40: {  	v3 =	vld [tilespmem:$0x20];
	_ =	sdelay $0x4  }
0x41: {  	v58 =	vshll.u32 v3, $0x2  }
0x42: {  	v3 =	vand.u32 $0x7, v3;
	v4 =	vand.u32 $0xFFFFFFE0, v58  }
0x43: {  	v3 =	vor.u32 v3, v4  }
0x44: {  	v4 =	vperm.xlane v3, v0;
	_ =	sdelay $0x1  }
0x45: {  	v4 =	vadd.s32 v1, v4;
	_ =	sdelay $0x1  }
0x46: {  	v3 =	vperm.xlane v3, v2;
	_ =	sdelay $0x1  }
0x47: {  	s0 =	rddreg [dreg:$0xc];
	v3 =	vadd.s32 v1, v3  }
0x48: {  	[hbm4b:s2+s3] =	stream.indirect_vreg.scatter [tilespmem:s0], [sflag:$0x2], $0x80, v4, vm0, $0xb8;
	[tilespmem:$0x10080] =	vst v63  }
0x49: {  	s9 =	rddreg [dreg:$0xd]  }
0x4a: {  	[hbm4b:s4+s3] =	stream.indirect_vreg.scatter [tilespmem:s9], [sflag:$0x2], $0x80, v4, vm0, $0xb8;
	[tilespmem:$0x10080] =	vst v63  }
0x4b: {  	s9 =	simm.s32 $0x5080  }
0x4c: {  	[hbm4b:s2+s3] =	stream.indirect_vreg.scatter [tilespmem:s9], [sflag:$0x2], $0x80, v3, vm0, $0xb8;
	[tilespmem:$0x10080] =	vst v63  }
0x4d: {  	_ = 	snop  }
0x4e: {  	[hbm4b:s4+s3] =	stream.indirect_vreg.scatter [tilespmem:s10], [sflag:$0x2], $0x80, v3, vm0, $0xb8;
	[tilespmem:$0x10080] =	vst v63  }
0x4f: {  	v3 =	vld [tilespmem:$0x30];
	_ =	sdelay $0x4  }
0x50: {  	v59 =	vshll.u32 v3, $0x2  }
0x51: {  	v3 =	vand.u32 $0x7, v3;
	v4 =	vand.u32 $0xFFFFFFE0, v59  }
0x52: {  	v3 =	vor.u32 v3, v4  }
0x53: {  	v4 =	vperm.xlane v3, v0;
	_ =	sdelay $0x1  }
0x54: {  	v4 =	vadd.s32 v1, v4;
	_ =	sdelay $0x1  }
0x55: {  	v3 =	vperm.xlane v3, v2;
	_ =	sdelay $0x1  }
0x56: {  	v3 =	vadd.s32 v1, v3  }
0x57: {  	[hbm4b:s2+s3] =	stream.indirect_vreg.scatter [tilespmem:s11], [sflag:$0x2], $0x80, v4, vm0, $0xb8;
	[tilespmem:$0x10080] =	vst v63  }
0x58: {  	_ = 	snop  }
0x59: {  	[hbm4b:s4+s3] =	stream.indirect_vreg.scatter [tilespmem:s12], [sflag:$0x2], $0x80, v4, vm0, $0xb8;
	[tilespmem:$0x10080] =	vst v63  }
0x5a: {  	_ = 	snop  }
0x5b: {  	[hbm4b:s2+s3] =	stream.indirect_vreg.scatter [tilespmem:s13], [sflag:$0x2], $0x80, v3, vm0, $0xb8;
	[tilespmem:$0x10080] =	vst v63  }
0x5c: {  	_ = 	snop  }
0x5d: {  	[hbm4b:s4+s3] =	stream.indirect_vreg.scatter [tilespmem:s14], [sflag:$0x2], $0x80, v3, vm0, $0xb8;
	[tilespmem:$0x10080] =	vst v63  }
0x5e: {  	v3 =	vld [tilespmem:$0x40];
	_ =	sdelay $0x4  }
0x5f: {  	v60 =	vshll.u32 v3, $0x2  }
0x60: {  	v3 =	vand.u32 $0x7, v3;
	v4 =	vand.u32 $0xFFFFFFE0, v60  }
0x61: {  	v3 =	vor.u32 v3, v4  }
0x62: {  	v4 =	vperm.xlane v3, v0;
	_ =	sdelay $0x1  }
0x63: {  	v4 =	vadd.s32 v1, v4;
	_ =	sdelay $0x1  }
0x64: {  	v3 =	vperm.xlane v3, v2;
	_ =	sdelay $0x1  }
0x65: {  	v3 =	vadd.s32 v1, v3  }
0x66: {  	[hbm4b:s2+s3] =	stream.indirect_vreg.scatter [tilespmem:s15], [sflag:$0x2], $0x80, v4, vm0, $0xb8;
	[tilespmem:$0x10080] =	vst v63  }
0x67: {  	_ = 	snop  }
0x68: {  	[hbm4b:s4+s3] =	stream.indirect_vreg.scatter [tilespmem:s16], [sflag:$0x2], $0x80, v4, vm0, $0xb8;
	[tilespmem:$0x10080] =	vst v63  }
0x69: {  	_ = 	snop  }
0x6a: {  	[hbm4b:s2+s3] =	stream.indirect_vreg.scatter [tilespmem:s17], [sflag:$0x2], $0x80, v3, vm0, $0xb8;
	[tilespmem:$0x10080] =	vst v63  }
0x6b: {  	_ = 	snop  }
0x6c: {  	[hbm4b:s4+s3] =	stream.indirect_vreg.scatter [tilespmem:s18], [sflag:$0x2], $0x80, v3, vm0, $0xb8;
	[tilespmem:$0x10080] =	vst v63  }
0x6d: {  	v3 =	vld [tilespmem:$0x50];
	_ =	sdelay $0x4  }
0x6e: {  	v61 =	vshll.u32 v3, $0x2  }
0x6f: {  	v3 =	vand.u32 $0x7, v3;
	v4 =	vand.u32 $0xFFFFFFE0, v61  }
0x70: {  	v3 =	vor.u32 v3, v4  }
0x71: {  	v4 =	vperm.xlane v3, v0;
	_ =	sdelay $0x1  }
0x72: {  	v4 =	vadd.s32 v1, v4;
	_ =	sdelay $0x1  }
0x73: {  	v3 =	vperm.xlane v3, v2;
	_ =	sdelay $0x1  }
0x74: {  	v3 =	vadd.s32 v1, v3  }
0x75: {  	[hbm4b:s2+s3] =	stream.indirect_vreg.scatter [tilespmem:s19], [sflag:$0x2], $0x80, v4, vm0, $0xb8;
	[tilespmem:$0x10080] =	vst v63  }
0x76: {  	_ = 	snop  }
0x77: {  	[hbm4b:s4+s3] =	stream.indirect_vreg.scatter [tilespmem:s20], [sflag:$0x2], $0x80, v4, vm0, $0xb8;
	[tilespmem:$0x10080] =	vst v63  }
0x78: {  	_ = 	snop  }
0x79: {  	[hbm4b:s2+s3] =	stream.indirect_vreg.scatter [tilespmem:s21], [sflag:$0x2], $0x80, v3, vm0, $0xb8;
	[tilespmem:$0x10080] =	vst v63  }
0x7a: {  	_ = 	snop  }
0x7b: {  	[hbm4b:s4+s3] =	stream.indirect_vreg.scatter [tilespmem:s22], [sflag:$0x2], $0x80, v3, vm0, $0xb8;
	[tilespmem:$0x10080] =	vst v63  }
0x7c: {  	v3 =	vld [tilespmem:$0x60];
	_ =	sdelay $0x4  }
0x7d: {  	v62 =	vshll.u32 v3, $0x2  }
0x7e: {  	v3 =	vand.u32 $0x7, v3;
	v4 =	vand.u32 $0xFFFFFFE0, v62  }
0x7f: {  	v3 =	vor.u32 v3, v4  }
0x80: {  	v4 =	vperm.xlane v3, v0;
	_ =	sdelay $0x1  }
0x81: {  	v4 =	vadd.s32 v1, v4;
	_ =	sdelay $0x1  }
0x82: {  	v3 =	vperm.xlane v3, v2;
	_ =	sdelay $0x1  }
0x83: {  	v3 =	vadd.s32 v1, v3  }
0x84: {  	[hbm4b:s2+s3] =	stream.indirect_vreg.scatter [tilespmem:s23], [sflag:$0x2], $0x80, v4, vm0, $0xb8;
	[tilespmem:$0x10080] =	vst v63  }
0x85: {  	_ = 	snop  }
0x86: {  	[hbm4b:s4+s3] =	stream.indirect_vreg.scatter [tilespmem:s24], [sflag:$0x2], $0x80, v4, vm0, $0xb8;
	[tilespmem:$0x10080] =	vst v63  }
0x87: {  	_ = 	snop  }
0x88: {  	[hbm4b:s2+s3] =	stream.indirect_vreg.scatter [tilespmem:s25], [sflag:$0x2], $0x80, v3, vm0, $0xb8;
	[tilespmem:$0x10080] =	vst v63  }
0x89: {  	_ = 	snop  }
0x8a: {  	[hbm4b:s4+s3] =	stream.indirect_vreg.scatter [tilespmem:s26], [sflag:$0x2], $0x80, v3, vm0, $0xb8;
	[tilespmem:$0x10080] =	vst v63  }
0x8b: {  	v3 =	vld [tilespmem:$0x70];
	_ =	sdelay $0x4  }
0x8c: {  	v63 =	vshll.u32 v3, $0x2  }
0x8d: {  	v3 =	vand.u32 $0x7, v3;
	v4 =	vand.u32 $0xFFFFFFE0, v63  }
0x8e: {  	v3 =	vor.u32 v3, v4  }
0x8f: {  	v4 =	vperm.xlane v3, v0;
	_ =	sdelay $0x1  }
0x90: {  	v4 =	vadd.s32 v1, v4;
	_ =	sdelay $0x1  }
0x91: {  	v3 =	vperm.xlane v3, v2;
	_ =	sdelay $0x1  }
0x92: {  	v3 =	vadd.s32 v1, v3  }
0x93: {  	[hbm4b:s2+s3] =	stream.indirect_vreg.scatter [tilespmem:s28], [sflag:$0x2], $0x80, v4, vm0, $0xb8;
	[tilespmem:$0x10080] =	vst v63  }
0x94: {  	_ = 	snop  }
0x95: {  	[hbm4b:s4+s3] =	stream.indirect_vreg.scatter [tilespmem:s29], [sflag:$0x2], $0x80, v4, vm0, $0xb8;
	[tilespmem:$0x10080] =	vst v63  }
0x96: {  	p0 =	sne.s32 s5, $0x1  }
0x97: {  	[hbm4b:s2+s3] =	stream.indirect_vreg.scatter [tilespmem:s30], [sflag:$0x2], $0x80, v3, vm0, $0xb8;
	[tilespmem:$0x10080] =	vst v63  }
.Ltmp0:
0x98: {  	_ = 	snop;
	(pc) =	sbr.rel @p0 .LBB2_1-.Ltmp0, $4  }
0x99: {  	[hbm4b:s4+s3] =	stream.indirect_vreg.scatter [tilespmem:s31], [sflag:$0x2], $0x80, v3, vm0, $0xb8;
	[tilespmem:$0x10080] =	vst v63  }
0x9a: {  	_ =	swait.ge [sflag:s1], $0x10000  }
0x9b: {  	[sflag:s1] =	ssyncset.done $0x0  }
0x9c: {  	s5 =	sadd.s32 $0xFFFFFFFF, s5;
	[sflag:s1] =	ssyncadd.s32 $0xFFFF0000  }
0x9d: {  	_ =	sfence.sel $0x180000  }
0x9e: {  	[bflag:$0x0] =	sbarrier.arrive $0xFFFF  }
0x9f: {  	_ =	strace $0x90000047  }
0xa0: {  	s0 =	stileid.u32;
	[bflag:$0x2] =	sbarrier.arrive $0xFFFF  }
0xa1: {  	p0 =	sne.s32 s0, $0x0;
	s0 =	rddreg [dreg:$0x2]  }
0xa2: {  	s0 =	sadd.s32 @!p0 $0x100000, s0  }
0xa3: {  	[sflag:s0] =	ssyncadd.tile.s32 @!p0 $0x1;
	_ =	shalt  }
.Lfunc_end2:
_tile_overlayer_lowered:
.L_overlay_start_2:
0xa4: {  	(tag) =	ssettag $0x2  }
0xa5: {  	s0 =	rddreg [dreg:$0x0];
	s2 =	stileid.u32  }
0xa6: {  	s1 =	rddreg [dreg:$0x1];
	p0 =	sne.s32 s2, $0x0  }
0xa7: {  	s3 =	rddreg [dreg:$0x2];
	[bflag:$0x3] =	sbarrier.arrive $0xFFFF;
	s2 =	simm.s32 @!p0 $0x1C03  }
0xa8: {  	[timem:s3], [sflag:s2] =	dma.local @!p0 [hbm:s0], s1  }
0xa9: {  	s0 =	simm.s32 @!p0 $0x3  }
0xaa: {  	_ =	swait.ge @!p0 [sflag:s0], s1  }
0xab: {  	s1 =	ssub.s32 @!p0 $0x0, s1;
	[sflag:s0] =	ssyncset.done @!p0 $0x0  }
0xac: {  	[sflag:s0] =	ssyncadd.s32 @!p0 s1  }
0xad: {  	[bflag:$0x3] =	sbarrier.arrive $0xFFFF  }
0xae: {  	_ =	shalt  }

// kernel: kernel.9.cloned.1.call-start
scs
__scs_entry_jumppad:
0x0: {  	(pc) =	sbr.rel $0x88, $3  }
0x1: {  	(tag) =	ssettag $0x0;
	lr =	simm.s32 $0x1  }
0x2: {  	[smem:$0x3F9D] =	sst lr;
	_ =	strace $0xD0000000  }
0x3: {  	_ = 	snop  }
0x4: {  	_ = 	snop  }
0x5: {  	_ = 	snop  }
0x6: {  	_ = 	snop  }
0x7: {  	_ = 	snop  }
__scs_overlays_trampoline_lowered:
0x8: {  	[smem:$0x3FAC] =	sst s0  }
0x9: {  	[smem:$0x3FAD] =	sst s1  }
0xa: {  	[smem:$0x3FAE] =	sst s2  }
0xb: {  	[smem:$0x3FAF] =	sst s3  }
0xc: {  	[smem:$0x3FB0] =	sst s4  }
0xd: {  	[smem:$0x3FB1] =	sst s5  }
0xe: {  	[smem:$0x3FB2] =	sst s6  }
0xf: {  	[smem:$0x3FB3] =	sst s7  }
0x10: {  	[smem:$0x3FB4] =	sst s8  }
0x11: {  	[smem:$0x3FB5] =	sst s9;
	s0 =	simm.s32 @!p0 $0x0  }
0x12: {  	s1 =	sld [smem:$0x3F9B];
	s0 =	simm.s32 @p0 $0x1  }
0x13: {  	[smem:$0x3FB6] =	sst s0;
	s0 =	simm.s32 @!p1 $0x0  }
0x14: {  	s2 =	sld [smem:$0x3F9A];
	s0 =	simm.s32 @p1 $0x1  }
0x15: {  	[smem:$0x3FB7] =	sst s0;
	s0 =	simm.s32 @!p2 $0x0  }
0x16: {  	s3 =	sld [smem:$0x3FDB];
	s0 =	simm.s32 @p2 $0x1  }
0x17: {  	s4 =	simm.s32 $0x1BF5;
	[smem:$0x3FB9] =	sst s0  }
0x18: {  	s0 =	sld [smem:$0x3F9C];
	_ =	swait.ge [sflag:s4], $0x0  }
0x19: {  	s7 =	sld [smem:$0x3F9D]  }
0x1a: {  	s8 =	sadd.s32 $0xFFFFE003, lr  }
0x1b: {  	s9 =	sadd.s32 $0xFFFFFEF7, lr;
	s5 =	simm.s32 $0xFFFFFFFF;
	p2 =	slt.u32 s8, $0xFFFFF086  }
0x1c: {  	p1 =	slt.u32 s9, $0xF7A;
	s5 =	simm.s32 @!p2 $0x0  }
0x1d: {  	s5 =	simm.s32 @p1 $0x1;
	p0 =	seq.s32 s7, s2  }
0x1e: {  	s7 =	smul.u32 @!p0 $0xF7A, s2;
	p2 =	seq.s32 @!p0 s5, $0x0  }
0x1f: {  	s9 =	smul.u32 $0xF7A, s1;
	s8 =	simm.s32 @!p0 $0x1BF5;
	p2 =	por !p2, p0  }
0x20: {  	[sflag:s8] =	ssyncset.s32 @!p0 $0xFFFFF086;
	s6 =	sadd.s32 @!p0 s3, s7;
	s7 =	simm.s32 @!p0 $0x108  }
0x21: {  	s3 =	sadd.s32 s3, s9;
	s6 =	sadd.s32 @!p0 $0x88, s6;
	s7 =	simm.s32 @p2 $0x1082  }
0x22: {  	[simem:s7], [sflag:s8] =	dma.local @!p0 [hbm:s6], $0xF7A  }
0x23: {  	s9 =	sor.u32 $0xD0000000, s2;
	s6 =	simm.s32 $0x108;
	_ =	swait.ge @!p0 [sflag:s8], $0x0  }
0x24: {  	s3 =	sadd.s32 $0x88, s3;
	s6 =	simm.s32 @!p1 $0x1082;
	[sflag:s4] =	ssyncset.s32 $0xFFFFF086  }
0x25: {  	[simem:s6], [sflag:s4] =	dma.local [hbm:s3], $0xF7A  }
0x26: {  	[smem:$0x3F9D] =	sst s1;
	(tag) =	ssettag s2;
	_ =	strace s9  }
0x27: {  	s1 =	sld [smem:$0x3FAD]  }
0x28: {  	s2 =	sld [smem:$0x3FAE]  }
0x29: {  	s4 =	sld [smem:$0x3FB0]  }
0x2a: {  	p0 =	seq.s32 s5, $0x0;
	s5 =	sld [smem:$0x3FB1]  }
0x2b: {  	s6 =	sld [smem:$0x3FB2]  }
0x2c: {  	s7 =	sld [smem:$0x3FB3]  }
0x2d: {  	s3 =	simm.s32 $0x108;
	s8 =	sld [smem:$0x3FB4]  }
0x2e: {  	s3 =	simm.s32 @!p0 $0x1082;
	s9 =	sld [smem:$0x3FB5]  }
0x2f: {  	lr =	sadd.s32 s0, s3;
	s0 =	sld [smem:$0x3FAC]  }
0x30: {  	s3 =	sld [smem:$0x3FAF]  }
0x31: {  	[smem:$0x3FB8] =	sst s10  }
0x32: {  	s10 =	sld [smem:$0x3FB6];
	_ =	sdelay $0x3  }
0x33: {  	p0 =	seq.s32 s10, $0x1;
	s10 =	sld [smem:$0x3FB8];
	_ =	sdelay $0x3  }
0x34: {  	[smem:$0x3FB8] =	sst s10  }
0x35: {  	s10 =	sld [smem:$0x3FB7];
	_ =	sdelay $0x3  }
0x36: {  	p1 =	seq.s32 s10, $0x1;
	s10 =	sld [smem:$0x3FB8];
	_ =	sdelay $0x3  }
0x37: {  	[smem:$0x3FB8] =	sst s10  }
0x38: {  	s10 =	sld [smem:$0x3FB9]  }
0x39: {  	_ = 	snop;
	(pc) =	sbr.ind lr, $3  }
0x3a: {  	_ = 	snop  }
0x3b: {  	_ = 	snop  }
0x3c: {  	p2 =	seq.s32 s10, $0x1;
	s10 =	sld [smem:$0x3FB8]  }
0x3d: {  	_ =	shalt  }
0x3e: {  	_ =	shalt  }
0x3f: {  	_ =	shalt  }
0x40: {  	_ =	shalt  }
0x41: {  	_ =	shalt  }
0x42: {  	_ =	shalt  }
0x43: {  	_ =	shalt  }
0x44: {  	_ =	shalt  }
0x45: {  	_ =	shalt  }
0x46: {  	_ =	shalt  }
0x47: {  	_ =	shalt  }
0x48: {  	_ =	shalt  }
0x49: {  	_ =	shalt  }
0x4a: {  	_ =	shalt  }
0x4b: {  	_ =	shalt  }
0x4c: {  	_ =	shalt  }
0x4d: {  	_ =	shalt  }
0x4e: {  	_ =	shalt  }
0x4f: {  	_ =	shalt  }
0x50: {  	_ =	shalt  }
0x51: {  	_ =	shalt  }
0x52: {  	_ =	shalt  }
0x53: {  	_ =	shalt  }
0x54: {  	_ =	shalt  }
0x55: {  	_ =	shalt  }
0x56: {  	_ =	shalt  }
0x57: {  	_ =	shalt  }
0x58: {  	_ =	shalt  }
0x59: {  	_ =	shalt  }
0x5a: {  	_ =	shalt  }
0x5b: {  	_ =	shalt  }
0x5c: {  	_ =	shalt  }
0x5d: {  	_ =	shalt  }
0x5e: {  	_ =	shalt  }
0x5f: {  	_ =	shalt  }
0x60: {  	_ =	shalt  }
0x61: {  	_ =	shalt  }
0x62: {  	_ =	shalt  }
0x63: {  	_ =	shalt  }
0x64: {  	_ =	shalt  }
0x65: {  	_ =	shalt  }
0x66: {  	_ =	shalt  }
0x67: {  	_ =	shalt  }
0x68: {  	_ =	shalt  }
0x69: {  	_ =	shalt  }
0x6a: {  	_ =	shalt  }
0x6b: {  	_ =	shalt  }
0x6c: {  	_ =	shalt  }
0x6d: {  	_ =	shalt  }
0x6e: {  	_ =	shalt  }
0x6f: {  	_ =	shalt  }
0x70: {  	_ =	shalt  }
0x71: {  	_ =	shalt  }
0x72: {  	_ =	shalt  }
0x73: {  	_ =	shalt  }
0x74: {  	_ =	shalt  }
0x75: {  	_ =	shalt  }
0x76: {  	_ =	shalt  }
0x77: {  	_ =	shalt  }
0x78: {  	_ =	shalt  }
0x79: {  	_ =	shalt  }
0x7a: {  	_ =	shalt  }
0x7b: {  	_ =	shalt  }
0x7c: {  	_ =	shalt  }
0x7d: {  	_ =	shalt  }
0x7e: {  	_ =	shalt  }
0x7f: {  	_ =	shalt  }
0x80: {  	_ =	shalt  }
0x81: {  	_ =	shalt  }
0x82: {  	_ =	shalt  }
0x83: {  	_ =	shalt  }
0x84: {  	_ =	shalt  }
0x85: {  	_ =	shalt  }
0x86: {  	_ =	shalt  }
0x87: {  	_ =	shalt  }
.Lfunc_end0:
.L_simem_size_0:
called_computation.1_lowered:
.L_overlay_start_0:
0x88: {  	s2 =	sld [smem:$0x3FD9]  }
0x89: {  	s3 =	sld [smem:$0x3FFE];
	_ =	sdelay $0x1  }
0x8a: {  	s1 =	srdreg.scid  }
0x8b: {  	s0 =	sand.u32 $0x1, s1  }
0x8c: {  	s17 =	sshll.u32 s0, $0xA;
	s2 =	sadd.s32 s3, s2  }
0x8d: {  	s2 =	sadd.s32 s2, s17  }
0x8e: {  	[smem:$0x3FC4] =	sst s2  }
0x8f: {  	_ = 	snop  }
0x90: {  	s2 =	sld [smem:$0x3FD0];
	(tm) =	ssettm $0x1  }
0x91: {  	s18 =	sld [smem:$0x3FFB];
	_ =	sdelay $0x3  }
0x92: {  	_ =	strace s18  }
0x93: {  	s3 =	sld [smem:$0x3FFC];
	_ =	sdelay $0x3  }
0x94: {  	_ =	strace s3  }
0x95: {  	s3 =	sld [smem:$0x3FFD];
	_ =	sdelay $0x3  }
0x96: {  	_ =	strace s3  }
0x97: {  	_ =	strace $0x8FFFFFFF  }
0x98: {  	s19 =	sld [smem:$0x3FDB];
	_ =	sdelay $0x1  }
0x99: {  	s4 =	simm.s32 $_scs_section_size  }
0x9a: {  	s5 =	simm.s32 $_size__tile_overlayer_lowered;
	s6 =	simm.s32 $_tile_overlayer_lowered  }
0x9b: {  	s22 =	simm.s32 $0x1BFF;
	s21 =	sshll.u32 s6, $0x1;
	s3 =	sadd.s32 s4, s19  }
0x9c: {  	s7 =	simm.s32 $0x0;
	s20 =	sshll.u32 s5, $0x1;
	s5 =	sadd.s32 s21, s3  }
0x9d: {  	[timem:s7], [sflag:s22] =	dma.local [hbm:s5], s20  }
0x9e: {  	_ =	swait.ge [sflag:s22], s20  }
0x9f: {  	s4 =	ssub.s32 $0x0, s20;
	[sflag:s22] =	ssyncset.done $0x0  }
0xa0: {  	[sflag:s22] =	ssyncadd.s32 s4;
	_ =	sdelay $0x1  }
0xa1: {  	s23 =	simm.s32 $0x1B8B  }
0xa2: {  	_ =	swait.ge [sflag:s23], $0x1  }
0xa3: {  	[sflag:s23] =	ssyncset.done $0x0  }
0xa4: {  	s25 =	simm.s32 $0x1B8E;
	s24 =	sld [smem:$0x3FFE];
	[sflag:s23] =	ssyncadd.s32 $0xFFFFFFFF  }
0xa5: {  	s26 =	simm.s32 $execute0_lowered;
	[smem:$0x3FD2] =	sst s25  }
0xa6: {  	s5 =	sshll.u32 s26, $0x1;
	_ =	strace $0x80000049;
	[dreg:$0x1] =	wrdreg $0xFFFFFFFF  }
0xa7: {  	s28 =	simm.s32 $_size_execute0_lowered;
	s3 =	sadd.s32 s3, s5;
	[dreg:$0x0] =	wrdreg $0x0  }
0xa8: {  	s5 =	sshll.u32 s28, $0x1;
	[dreg:$0x2] =	wrdreg s3  }
0xa9: {  	[dreg:$0x3] =	wrdreg s5  }
0xaa: {  	[dreg:$0x4] =	wrdreg $0xC0  }
0xab: {  	_ =	task [dreg:s7], $0x5FFFF  }
0xac: {  	[dreg:$0x1] =	wrdreg $0xFFFFFFFF  }
0xad: {  	[dreg:$0x0] =	wrdreg $0x60  }
0xae: {  	[dreg:$0x2] =	wrdreg s24  }
0xaf: {  	[dreg:$0x3] =	wrdreg s2  }
0xb0: {  	[dreg:$0x4] =	wrdreg $0x9  }
0xb1: {  	_ =	task.clear_ibuf [dreg:s7], $0x5FFFF;
	_ =	strace $0x90000049  }
0xb2: {  	s29 =	simm.s32 $0x9;
	_ =	strace $0x8000004B  }
0xb3: {  	_ =	swait.ge [sflag:s29], $0x1  }
0xb4: {  	[sflag:s29] =	ssyncadd.s32 $0xFFFFFFFF  }
0xb5: {  	_ =	strace $0x9000004B  }
0xb6: {  	_ =	sfence  }
0xb7: {  	s30 =	sld [smem:$0x0];
	_ =	sdelay $0x2  }
0xb8: {  	s31 =	sshll.u32 s1, $0xD;
	s1 =	sshrl.u32 s1, $0x2  }
0xb9: {  	s3 =	sand.u32 $0x4000, s31;
	s1 =	sadd.s32 s1, s30  }
0xba: {  	s0 =	sor.u32 s3, s0;
	s1 =	sshll.u32 s1, $0x11  }
0xbb: {  	s0 =	sor.u32 s1, s0  }
0xbc: {  	s0 =	sadd.s32 $0x8F2B, s0  }
0xbd: {  	[sflag:s0] =	ssyncadd.remote.s32 $0x1  }
0xbe: {  	_ =	sfence.sel $0xFFFF  }
0xbf: {  	[dreg:$0x0] =	wrdreg $0xFFFFFFFF;
	(pc) =	sbr.abs _section_cstart, $3  }
0xc0: {  	[dreg:$0x1] =	wrdreg $0xFFFFFFFF  }
0xc1: {  	_ =	task.clear_ibuf [dreg:s7], $0x2FFFF;
	_ =	strace $0x9FFFFFFF  }
0xc2: {  	(tm) =	ssettm $0x7FFFFFFF  }
0xc3: {  	_ =	shalt  }
tec
execute0_lowered:
.L_overlay_start_1:
0x0: {  	(tag) =	ssettag $0x1  }
0x1: {  	s0 =	rddreg [dreg:$0x0]  }
0x2: {  	s1 =	rddreg [dreg:$0x1];
	s3 =	srdreg.scid  }
0x3: {  	s2 =	simm.s32 $0x0;
	s5 =	stileid.u32;
	s9 =	simm.s32 $0x1  }
0x4: {  	s21 =	simm.s32 $0x3;
	s22 =	simm.s32 $0x4;
	s28 =	simm.s32 $0x1880  }
0x5: {  	s29 =	simm.s32 $0x2080;
	s30 =	simm.s32 $0x2880;
	s31 =	simm.s32 $0x3080  }
0x6: {  	s11 =	simm.s32 $0x4880;
	s12 =	simm.s32 $0x5080;
	s13 =	simm.s32 $0x5880  }
0x7: {  	s14 =	simm.s32 $0x6080;
	s15 =	simm.s32 $0x6880;
	s16 =	simm.s32 $0x7080  }
0x8: {  	s17 =	simm.s32 $0x7880;
	s20 =	simm.s32 $0x8080;
	s18 =	simm.s32 $0x8880  }
0x9: {  	s19 =	simm.s32 $0x9080;
	s4 =	sand.u32 $0x1, s3;
	[smem:$0x7FF] =	sst s2  }
0xa: {  	s23 =	sshll.u32 s5, $0x8;
	s3 =	sadd.s32 $0x41400, s0;
	s24 =	sshll.u32 s4, $0x7  }
0xb: {  	_ =	strace $0x8000004A;
	s4 =	ssub.s32 $0x2, s4;
	s5 =	sor.u32 s24, s23  }
0xc: {  	s7 =	sshrl.u32 s4, $0x1;
	s6 =	sshrl.u32 s5, $0x3;
	s5 =	sshll.u32 s5, $0x7  }
0xd: {  	s24 =	simm.s32 $0x880;
	s6 =	sadd.s32 s6, s0;
	s8 =	sadd.s32 s1, s5  }
0xe: {  	s4 =	ssub.s32 s4, s7;
	s6 =	sadd.s32 $0x41200, s6;
	[dreg:$0x7] =	wrdreg s8  }
0xf: {  	s7 =	sadd.s32 $0x41700, s0;
	s1 =	sadd.s32 $0x1000, s8;
	[dreg:$0x3] =	wrdreg s6  }
0x10: {  	s5 =	sadd.s32 $0x41500, s0;
	s25 =	sadd.s32 $0x2000, s8;
	[dreg:$0x4] =	wrdreg s1  }
0x11: {  	v2 =	vlaneseq.u32;
	s26 =	sadd.s32 $0x3000, s8;
	s8 =	smax.u32 s4, $0x1;
	[dreg:$0x5] =	wrdreg s25  }
0x12: {  	vm0 =	vmmov $0xffff;
	v1 =	vshrl.u32 v2, $0x3;
	s4 =	simm.s32 $0x2;
	s6 =	sadd.s32 $0x41600, s0;
	[dreg:$0x6] =	wrdreg s26  }
0x13: {  	v0 =	vand.u32 $0x7, v2;
	v2 =	vor.u32 $0x8, v2;
	v1 =	vmul.u32 $0x8, v1;
	s26 =	simm.s32 $0x80;
	s25 =	simm.s32 $0x1080;
	s1 =	simm.s32 $0x4080  }
.LBB2_1:
0x14: {  	s23 =	rddreg [dreg:$0x3];
	s0 =	simm.s32 $0x5  }
0x15: {  	[tilespmem:s2], [sflag:$0x5] =	stream.linear.gather [hbm4b:s23+s2], $0x80, $0x38;
	[tilespmem:$0x10080] =	vst v63  }
0x16: {  	_ =	swait.ge [sflag:s0], $0x80  }
0x17: {  	[sflag:s0] =	ssyncset.done $0x0  }
0x18: {  	[sflag:s0] =	ssyncadd.s32 $0xFFFFFF80  }
0x19: {  	v3 =	vld [tilespmem:$0x0];
	_ =	sdelay $0x4  }
0x1a: {  	v4 =	vshll.u32 v3, $0x3  }
0x1b: {  	v3 =	vand.u32 $0x7, v3;
	v4 =	vand.u32 $0xFFFFFFC0, v4  }
0x1c: {  	v3 =	vor.u32 v3, v4  }
0x1d: {  	v4 =	vperm.xlane v3, v0;
	_ =	sdelay $0x1  }
0x1e: {  	v4 =	vadd.s32 v1, v4;
	_ =	sdelay $0x4  }
0x1f: {  	[tilespmem:s26], [sflag:$0x1] =	stream.indirect_vreg.gather [hbm4b:s3+s2], $0x80, v4, vm0, $0xb8;
	[tilespmem:$0x10080] =	vst v63  }
0x20: {  	v3 =	vperm.xlane v3, v2  }
0x21: {  	[tilespmem:s24], [sflag:$0x1] =	stream.indirect_vreg.gather [hbm4b:s5+s2], $0x80, v4, vm0, $0xb8;
	[tilespmem:$0x10080] =	vst v63  }
0x22: {  	v3 =	vadd.s32 v1, v3  }
0x23: {  	[tilespmem:s25], [sflag:$0x1] =	stream.indirect_vreg.gather [hbm4b:s6+s2], $0x80, v4, vm0, $0xb8;
	[tilespmem:$0x10080] =	vst v63  }
0x24: {  	_ = 	snop  }
0x25: {  	[tilespmem:s28], [sflag:$0x1] =	stream.indirect_vreg.gather [hbm4b:s7+s2], $0x80, v4, vm0, $0xb8;
	[tilespmem:$0x10080] =	vst v63  }
0x26: {  	_ = 	snop  }
0x27: {  	[tilespmem:s29], [sflag:$0x1] =	stream.indirect_vreg.gather [hbm4b:s3+s2], $0x80, v3, vm0, $0xb8;
	[tilespmem:$0x10080] =	vst v63  }
0x28: {  	_ = 	snop  }
0x29: {  	[tilespmem:s30], [sflag:$0x1] =	stream.indirect_vreg.gather [hbm4b:s5+s2], $0x80, v3, vm0, $0xb8;
	[tilespmem:$0x10080] =	vst v63  }
0x2a: {  	_ = 	snop  }
0x2b: {  	[tilespmem:s31], [sflag:$0x1] =	stream.indirect_vreg.gather [hbm4b:s6+s2], $0x80, v3, vm0, $0xb8;
	[tilespmem:$0x10080] =	vst v63  }
0x2c: {  	s0 =	simm.s32 $0x3880  }
0x2d: {  	[tilespmem:s0], [sflag:$0x1] =	stream.indirect_vreg.gather [hbm4b:s7+s2], $0x80, v3, vm0, $0xb8;
	[tilespmem:$0x10080] =	vst v63  }
0x2e: {  	v3 =	vld [tilespmem:$0x10];
	_ =	sdelay $0x4  }
0x2f: {  	v57 =	vshll.u32 v3, $0x3  }
0x30: {  	v3 =	vand.u32 $0x7, v3;
	v4 =	vand.u32 $0xFFFFFFC0, v57  }
0x31: {  	v3 =	vor.u32 v3, v4  }
0x32: {  	v4 =	vperm.xlane v3, v0;
	_ =	sdelay $0x1  }
0x33: {  	v4 =	vadd.s32 v1, v4;
	_ =	sdelay $0x4  }
0x34: {  	[tilespmem:s1], [sflag:$0x1] =	stream.indirect_vreg.gather [hbm4b:s3+s2], $0x80, v4, vm0, $0xb8;
	[tilespmem:$0x10080] =	vst v63  }
0x35: {  	v3 =	vperm.xlane v3, v2  }
0x36: {  	[tilespmem:s11], [sflag:$0x1] =	stream.indirect_vreg.gather [hbm4b:s5+s2], $0x80, v4, vm0, $0xb8;
	[tilespmem:$0x10080] =	vst v63  }
0x37: {  	v3 =	vadd.s32 v1, v3  }
0x38: {  	[tilespmem:s12], [sflag:$0x1] =	stream.indirect_vreg.gather [hbm4b:s6+s2], $0x80, v4, vm0, $0xb8;
	[tilespmem:$0x10080] =	vst v63  }
0x39: {  	_ = 	snop  }
0x3a: {  	[tilespmem:s13], [sflag:$0x1] =	stream.indirect_vreg.gather [hbm4b:s7+s2], $0x80, v4, vm0, $0xb8;
	[tilespmem:$0x10080] =	vst v63  }
0x3b: {  	_ = 	snop  }
0x3c: {  	[tilespmem:s14], [sflag:$0x1] =	stream.indirect_vreg.gather [hbm4b:s3+s2], $0x80, v3, vm0, $0xb8;
	[tilespmem:$0x10080] =	vst v63  }
0x3d: {  	_ = 	snop  }
0x3e: {  	[tilespmem:s15], [sflag:$0x1] =	stream.indirect_vreg.gather [hbm4b:s5+s2], $0x80, v3, vm0, $0xb8;
	[tilespmem:$0x10080] =	vst v63  }
0x3f: {  	_ = 	snop  }
0x40: {  	[tilespmem:s16], [sflag:$0x1] =	stream.indirect_vreg.gather [hbm4b:s6+s2], $0x80, v3, vm0, $0xb8;
	[tilespmem:$0x10080] =	vst v63  }
0x41: {  	_ = 	snop  }
0x42: {  	[tilespmem:s17], [sflag:$0x1] =	stream.indirect_vreg.gather [hbm4b:s7+s2], $0x80, v3, vm0, $0xb8;
	[tilespmem:$0x10080] =	vst v63  }
0x43: {  	v3 =	vld [tilespmem:$0x20];
	_ =	sdelay $0x4  }
0x44: {  	v58 =	vshll.u32 v3, $0x3  }
0x45: {  	v3 =	vand.u32 $0x7, v3;
	v4 =	vand.u32 $0xFFFFFFC0, v58  }
0x46: {  	v3 =	vor.u32 v3, v4  }
0x47: {  	v4 =	vperm.xlane v3, v0;
	_ =	sdelay $0x1  }
0x48: {  	v4 =	vadd.s32 v1, v4;
	_ =	sdelay $0x4  }
0x49: {  	[tilespmem:s20], [sflag:$0x2] =	stream.indirect_vreg.gather [hbm4b:s3+s2], $0x80, v4, vm0, $0xb8;
	[tilespmem:$0x10080] =	vst v63  }
0x4a: {  	v3 =	vperm.xlane v3, v2  }
0x4b: {  	[tilespmem:s18], [sflag:$0x2] =	stream.indirect_vreg.gather [hbm4b:s5+s2], $0x80, v4, vm0, $0xb8;
	[tilespmem:$0x10080] =	vst v63  }
0x4c: {  	v3 =	vadd.s32 v1, v3  }
0x4d: {  	[tilespmem:s19], [sflag:$0x2] =	stream.indirect_vreg.gather [hbm4b:s6+s2], $0x80, v4, vm0, $0xb8;
	[tilespmem:$0x10080] =	vst v63  }
0x4e: {  	s10 =	simm.s32 $0x9880  }
0x4f: {  	[tilespmem:s10], [sflag:$0x2] =	stream.indirect_vreg.gather [hbm4b:s7+s2], $0x80, v4, vm0, $0xb8;
	[tilespmem:$0x10080] =	vst v63  }
0x50: {  	s10 =	simm.s32 $0xA080  }
0x51: {  	[tilespmem:s10], [sflag:$0x2] =	stream.indirect_vreg.gather [hbm4b:s3+s2], $0x80, v3, vm0, $0xb8;
	[tilespmem:$0x10080] =	vst v63  }
0x52: {  	s23 =	simm.s32 $0xA880  }
0x53: {  	[tilespmem:s23], [sflag:$0x2] =	stream.indirect_vreg.gather [hbm4b:s5+s2], $0x80, v3, vm0, $0xb8;
	[tilespmem:$0x10080] =	vst v63  }
0x54: {  	s23 =	simm.s32 $0xB080  }
0x55: {  	[tilespmem:s23], [sflag:$0x2] =	stream.indirect_vreg.gather [hbm4b:s6+s2], $0x80, v3, vm0, $0xb8;
	[tilespmem:$0x10080] =	vst v63  }
0x56: {  	s23 =	simm.s32 $0xB880  }
0x57: {  	[tilespmem:s23], [sflag:$0x2] =	stream.indirect_vreg.gather [hbm4b:s7+s2], $0x80, v3, vm0, $0xb8;
	[tilespmem:$0x10080] =	vst v63  }
0x58: {  	v3 =	vld [tilespmem:$0x30];
	_ =	sdelay $0x4  }
0x59: {  	v59 =	vshll.u32 v3, $0x3  }
0x5a: {  	v3 =	vand.u32 $0x7, v3;
	v4 =	vand.u32 $0xFFFFFFC0, v59  }
0x5b: {  	v3 =	vor.u32 v3, v4  }
0x5c: {  	v4 =	vperm.xlane v3, v0;
	_ =	sdelay $0x1  }
0x5d: {  	v4 =	vadd.s32 v1, v4;
	_ =	sdelay $0x3  }
0x5e: {  	s23 =	simm.s32 $0xC080  }
0x5f: {  	[tilespmem:s23], [sflag:$0x2] =	stream.indirect_vreg.gather [hbm4b:s3+s2], $0x80, v4, vm0, $0xb8;
	[tilespmem:$0x10080] =	vst v63  }
0x60: {  	v3 =	vperm.xlane v3, v2;
	s23 =	simm.s32 $0xC880  }
0x61: {  	[tilespmem:s23], [sflag:$0x2] =	stream.indirect_vreg.gather [hbm4b:s5+s2], $0x80, v4, vm0, $0xb8;
	[tilespmem:$0x10080] =	vst v63  }
0x62: {  	v3 =	vadd.s32 v1, v3;
	s23 =	simm.s32 $0xD080  }
0x63: {  	[tilespmem:s23], [sflag:$0x2] =	stream.indirect_vreg.gather [hbm4b:s6+s2], $0x80, v4, vm0, $0xb8;
	[tilespmem:$0x10080] =	vst v63  }
0x64: {  	s23 =	simm.s32 $0xD880  }
0x65: {  	[tilespmem:s23], [sflag:$0x2] =	stream.indirect_vreg.gather [hbm4b:s7+s2], $0x80, v4, vm0, $0xb8;
	[tilespmem:$0x10080] =	vst v63  }
0x66: {  	s23 =	simm.s32 $0xE080  }
0x67: {  	[tilespmem:s23], [sflag:$0x2] =	stream.indirect_vreg.gather [hbm4b:s3+s2], $0x80, v3, vm0, $0xb8;
	[tilespmem:$0x10080] =	vst v63  }
0x68: {  	s23 =	simm.s32 $0xE880  }
0x69: {  	[tilespmem:s23], [sflag:$0x2] =	stream.indirect_vreg.gather [hbm4b:s5+s2], $0x80, v3, vm0, $0xb8;
	[tilespmem:$0x10080] =	vst v63  }
0x6a: {  	s23 =	simm.s32 $0xF080  }
0x6b: {  	[tilespmem:s23], [sflag:$0x2] =	stream.indirect_vreg.gather [hbm4b:s6+s2], $0x80, v3, vm0, $0xb8;
	[tilespmem:$0x10080] =	vst v63  }
0x6c: {  	s23 =	simm.s32 $0xF880  }
0x6d: {  	[tilespmem:s23], [sflag:$0x2] =	stream.indirect_vreg.gather [hbm4b:s7+s2], $0x80, v3, vm0, $0xb8;
	[tilespmem:$0x10080] =	vst v63  }
0x6e: {  	_ =	swait.ge [sflag:s9], $0x8000  }
0x6f: {  	[sflag:s9] =	ssyncset.done $0x0  }
0x70: {  	s23 =	rddreg [dreg:$0x7];
	[sflag:s9] =	ssyncadd.s32 $0xFFFF8000  }
0x71: {  	[hbm4b:s23+s2] =	stream.linear.scatter [tilespmem:s26], [sflag:$0x3], $0x8000, $0x38;
	[tilespmem:$0x10080] =	vst v63  }
0x72: {  	_ =	swait.ge [sflag:s21], $0x8000  }
0x73: {  	[sflag:s21] =	ssyncset.done $0x0  }
0x74: {  	[sflag:s21] =	ssyncadd.s32 $0xFFFF8000  }
0x75: {  	v3 =	vld [tilespmem:$0x40];
	_ =	sdelay $0x4  }
0x76: {  	v60 =	vshll.u32 v3, $0x3  }
0x77: {  	v3 =	vand.u32 $0x7, v3;
	v4 =	vand.u32 $0xFFFFFFC0, v60  }
0x78: {  	v3 =	vor.u32 v3, v4  }
0x79: {  	v4 =	vperm.xlane v3, v0;
	_ =	sdelay $0x1  }
0x7a: {  	v4 =	vadd.s32 v1, v4;
	_ =	sdelay $0x4  }
0x7b: {  	[tilespmem:s26], [sflag:$0x1] =	stream.indirect_vreg.gather [hbm4b:s3+s2], $0x80, v4, vm0, $0xb8;
	[tilespmem:$0x10080] =	vst v63  }
0x7c: {  	v3 =	vperm.xlane v3, v2  }
0x7d: {  	[tilespmem:s24], [sflag:$0x1] =	stream.indirect_vreg.gather [hbm4b:s5+s2], $0x80, v4, vm0, $0xb8;
	[tilespmem:$0x10080] =	vst v63  }
0x7e: {  	v3 =	vadd.s32 v1, v3  }
0x7f: {  	[tilespmem:s25], [sflag:$0x1] =	stream.indirect_vreg.gather [hbm4b:s6+s2], $0x80, v4, vm0, $0xb8;
	[tilespmem:$0x10080] =	vst v63  }
0x80: {  	_ = 	snop  }
0x81: {  	[tilespmem:s28], [sflag:$0x1] =	stream.indirect_vreg.gather [hbm4b:s7+s2], $0x80, v4, vm0, $0xb8;
	[tilespmem:$0x10080] =	vst v63  }
0x82: {  	_ = 	snop  }
0x83: {  	[tilespmem:s29], [sflag:$0x1] =	stream.indirect_vreg.gather [hbm4b:s3+s2], $0x80, v3, vm0, $0xb8;
	[tilespmem:$0x10080] =	vst v63  }
0x84: {  	_ = 	snop  }
0x85: {  	[tilespmem:s30], [sflag:$0x1] =	stream.indirect_vreg.gather [hbm4b:s5+s2], $0x80, v3, vm0, $0xb8;
	[tilespmem:$0x10080] =	vst v63  }
0x86: {  	_ = 	snop  }
0x87: {  	[tilespmem:s31], [sflag:$0x1] =	stream.indirect_vreg.gather [hbm4b:s6+s2], $0x80, v3, vm0, $0xb8;
	[tilespmem:$0x10080] =	vst v63  }
0x88: {  	_ = 	snop  }
0x89: {  	[tilespmem:s0], [sflag:$0x1] =	stream.indirect_vreg.gather [hbm4b:s7+s2], $0x80, v3, vm0, $0xb8;
	[tilespmem:$0x10080] =	vst v63  }
0x8a: {  	v3 =	vld [tilespmem:$0x50];
	_ =	sdelay $0x4  }
0x8b: {  	v61 =	vshll.u32 v3, $0x3  }
0x8c: {  	v3 =	vand.u32 $0x7, v3;
	v4 =	vand.u32 $0xFFFFFFC0, v61  }
0x8d: {  	v3 =	vor.u32 v3, v4  }
0x8e: {  	v4 =	vperm.xlane v3, v0;
	_ =	sdelay $0x1  }
0x8f: {  	v4 =	vadd.s32 v1, v4;
	_ =	sdelay $0x4  }
0x90: {  	[tilespmem:s1], [sflag:$0x1] =	stream.indirect_vreg.gather [hbm4b:s3+s2], $0x80, v4, vm0, $0xb8;
	[tilespmem:$0x10080] =	vst v63  }
0x91: {  	v3 =	vperm.xlane v3, v2  }
0x92: {  	[tilespmem:s11], [sflag:$0x1] =	stream.indirect_vreg.gather [hbm4b:s5+s2], $0x80, v4, vm0, $0xb8;
	[tilespmem:$0x10080] =	vst v63  }
0x93: {  	v3 =	vadd.s32 v1, v3  }
0x94: {  	[tilespmem:s12], [sflag:$0x1] =	stream.indirect_vreg.gather [hbm4b:s6+s2], $0x80, v4, vm0, $0xb8;
	[tilespmem:$0x10080] =	vst v63  }
0x95: {  	_ = 	snop  }
0x96: {  	[tilespmem:s13], [sflag:$0x1] =	stream.indirect_vreg.gather [hbm4b:s7+s2], $0x80, v4, vm0, $0xb8;
	[tilespmem:$0x10080] =	vst v63  }
0x97: {  	_ = 	snop  }
0x98: {  	[tilespmem:s14], [sflag:$0x1] =	stream.indirect_vreg.gather [hbm4b:s3+s2], $0x80, v3, vm0, $0xb8;
	[tilespmem:$0x10080] =	vst v63  }
0x99: {  	_ = 	snop  }
0x9a: {  	[tilespmem:s15], [sflag:$0x1] =	stream.indirect_vreg.gather [hbm4b:s5+s2], $0x80, v3, vm0, $0xb8;
	[tilespmem:$0x10080] =	vst v63  }
0x9b: {  	_ = 	snop  }
0x9c: {  	[tilespmem:s16], [sflag:$0x1] =	stream.indirect_vreg.gather [hbm4b:s6+s2], $0x80, v3, vm0, $0xb8;
	[tilespmem:$0x10080] =	vst v63  }
0x9d: {  	_ = 	snop  }
0x9e: {  	[tilespmem:s17], [sflag:$0x1] =	stream.indirect_vreg.gather [hbm4b:s7+s2], $0x80, v3, vm0, $0xb8;
	[tilespmem:$0x10080] =	vst v63  }
0x9f: {  	_ =	swait.ge [sflag:s4], $0x8000  }
0xa0: {  	[sflag:s4] =	ssyncset.done $0x0  }
0xa1: {  	s0 =	rddreg [dreg:$0x4];
	[sflag:s4] =	ssyncadd.s32 $0xFFFF8000  }
0xa2: {  	[hbm4b:s0+s2] =	stream.linear.scatter [tilespmem:s20], [sflag:$0x4], $0x8000, $0x38;
	[tilespmem:$0x10080] =	vst v63  }
0xa3: {  	_ =	swait.ge [sflag:s22], $0x8000  }
0xa4: {  	[sflag:s22] =	ssyncset.done $0x0  }
0xa5: {  	[sflag:s22] =	ssyncadd.s32 $0xFFFF8000  }
0xa6: {  	v3 =	vld [tilespmem:$0x60];
	_ =	sdelay $0x4  }
0xa7: {  	v62 =	vshll.u32 v3, $0x3  }
0xa8: {  	v3 =	vand.u32 $0x7, v3;
	v4 =	vand.u32 $0xFFFFFFC0, v62  }
0xa9: {  	v3 =	vor.u32 v3, v4  }
0xaa: {  	v4 =	vperm.xlane v3, v0;
	_ =	sdelay $0x1  }
0xab: {  	v4 =	vadd.s32 v1, v4;
	_ =	sdelay $0x4  }
0xac: {  	[tilespmem:s20], [sflag:$0x2] =	stream.indirect_vreg.gather [hbm4b:s3+s2], $0x80, v4, vm0, $0xb8;
	[tilespmem:$0x10080] =	vst v63  }
0xad: {  	v3 =	vperm.xlane v3, v2  }
0xae: {  	[tilespmem:s18], [sflag:$0x2] =	stream.indirect_vreg.gather [hbm4b:s5+s2], $0x80, v4, vm0, $0xb8;
	[tilespmem:$0x10080] =	vst v63  }
0xaf: {  	v3 =	vadd.s32 v1, v3  }
0xb0: {  	[tilespmem:s19], [sflag:$0x2] =	stream.indirect_vreg.gather [hbm4b:s6+s2], $0x80, v4, vm0, $0xb8;
	[tilespmem:$0x10080] =	vst v63  }
0xb1: {  	s23 =	simm.s32 $0x9880  }
0xb2: {  	[tilespmem:s23], [sflag:$0x2] =	stream.indirect_vreg.gather [hbm4b:s7+s2], $0x80, v4, vm0, $0xb8;
	[tilespmem:$0x10080] =	vst v63  }
0xb3: {  	_ = 	snop  }
0xb4: {  	[tilespmem:s10], [sflag:$0x2] =	stream.indirect_vreg.gather [hbm4b:s3+s2], $0x80, v3, vm0, $0xb8;
	[tilespmem:$0x10080] =	vst v63  }
0xb5: {  	s23 =	simm.s32 $0xA880  }
0xb6: {  	[tilespmem:s23], [sflag:$0x2] =	stream.indirect_vreg.gather [hbm4b:s5+s2], $0x80, v3, vm0, $0xb8;
	[tilespmem:$0x10080] =	vst v63  }
0xb7: {  	s10 =	simm.s32 $0xB080  }
0xb8: {  	[tilespmem:s10], [sflag:$0x2] =	stream.indirect_vreg.gather [hbm4b:s6+s2], $0x80, v3, vm0, $0xb8;
	[tilespmem:$0x10080] =	vst v63  }
0xb9: {  	s23 =	simm.s32 $0xB880  }
0xba: {  	[tilespmem:s23], [sflag:$0x2] =	stream.indirect_vreg.gather [hbm4b:s7+s2], $0x80, v3, vm0, $0xb8;
	[tilespmem:$0x10080] =	vst v63  }
0xbb: {  	v3 =	vld [tilespmem:$0x70];
	_ =	sdelay $0x4  }
0xbc: {  	v63 =	vshll.u32 v3, $0x3  }
0xbd: {  	v3 =	vand.u32 $0x7, v3;
	v4 =	vand.u32 $0xFFFFFFC0, v63  }
0xbe: {  	v3 =	vor.u32 v3, v4  }
0xbf: {  	v4 =	vperm.xlane v3, v0;
	_ =	sdelay $0x1  }
0xc0: {  	v4 =	vadd.s32 v1, v4;
	_ =	sdelay $0x3  }
0xc1: {  	s10 =	simm.s32 $0xC080  }
0xc2: {  	[tilespmem:s10], [sflag:$0x2] =	stream.indirect_vreg.gather [hbm4b:s3+s2], $0x80, v4, vm0, $0xb8;
	[tilespmem:$0x10080] =	vst v63  }
0xc3: {  	s23 =	simm.s32 $0xC880;
	v3 =	vperm.xlane v3, v2  }
0xc4: {  	[tilespmem:s23], [sflag:$0x2] =	stream.indirect_vreg.gather [hbm4b:s5+s2], $0x80, v4, vm0, $0xb8;
	[tilespmem:$0x10080] =	vst v63  }
0xc5: {  	v3 =	vadd.s32 v1, v3;
	s10 =	simm.s32 $0xD080  }
0xc6: {  	[tilespmem:s10], [sflag:$0x2] =	stream.indirect_vreg.gather [hbm4b:s6+s2], $0x80, v4, vm0, $0xb8;
	[tilespmem:$0x10080] =	vst v63  }
0xc7: {  	s23 =	simm.s32 $0xD880  }
0xc8: {  	[tilespmem:s23], [sflag:$0x2] =	stream.indirect_vreg.gather [hbm4b:s7+s2], $0x80, v4, vm0, $0xb8;
	[tilespmem:$0x10080] =	vst v63  }
0xc9: {  	s10 =	simm.s32 $0xE080  }
0xca: {  	[tilespmem:s10], [sflag:$0x2] =	stream.indirect_vreg.gather [hbm4b:s3+s2], $0x80, v3, vm0, $0xb8;
	[tilespmem:$0x10080] =	vst v63  }
0xcb: {  	s23 =	simm.s32 $0xE880  }
0xcc: {  	[tilespmem:s23], [sflag:$0x2] =	stream.indirect_vreg.gather [hbm4b:s5+s2], $0x80, v3, vm0, $0xb8;
	[tilespmem:$0x10080] =	vst v63  }
0xcd: {  	s10 =	simm.s32 $0xF080  }
0xce: {  	[tilespmem:s10], [sflag:$0x2] =	stream.indirect_vreg.gather [hbm4b:s6+s2], $0x80, v3, vm0, $0xb8;
	[tilespmem:$0x10080] =	vst v63  }
0xcf: {  	s23 =	simm.s32 $0xF880  }
0xd0: {  	[tilespmem:s23], [sflag:$0x2] =	stream.indirect_vreg.gather [hbm4b:s7+s2], $0x80, v3, vm0, $0xb8;
	[tilespmem:$0x10080] =	vst v63  }
0xd1: {  	_ =	swait.ge [sflag:s9], $0x8000  }
0xd2: {  	[sflag:s9] =	ssyncset.done $0x0  }
0xd3: {  	s0 =	rddreg [dreg:$0x5];
	[sflag:s9] =	ssyncadd.s32 $0xFFFF8000  }
0xd4: {  	[hbm4b:s0+s2] =	stream.linear.scatter [tilespmem:s26], [sflag:$0x3], $0x8000, $0x38;
	[tilespmem:$0x10080] =	vst v63  }
0xd5: {  	_ =	swait.ge [sflag:s4], $0x8000  }
0xd6: {  	[sflag:s4] =	ssyncset.done $0x0  }
0xd7: {  	s10 =	rddreg [dreg:$0x6];
	[sflag:s4] =	ssyncadd.s32 $0xFFFF8000  }
0xd8: {  	[hbm4b:s10+s2] =	stream.linear.scatter [tilespmem:s20], [sflag:$0x4], $0x8000, $0x38;
	[tilespmem:$0x10080] =	vst v63  }
0xd9: {  	p0 =	sne.s32 s8, $0x1;
	_ =	swait.ge [sflag:s21], $0x8000  }
.Ltmp0:
0xda: {  	[sflag:s21] =	ssyncset.done $0x0;
	(pc) =	sbr.rel @p0 .LBB2_1-.Ltmp0, $4  }
0xdb: {  	[sflag:s21] =	ssyncadd.s32 $0xFFFF8000  }
0xdc: {  	_ =	swait.ge [sflag:s22], $0x8000  }
0xdd: {  	[sflag:s22] =	ssyncset.done $0x0  }
0xde: {  	s8 =	sadd.s32 $0xFFFFFFFF, s8;
	[sflag:s22] =	ssyncadd.s32 $0xFFFF8000  }
0xdf: {  	_ =	sfence.sel $0x180000  }
0xe0: {  	[bflag:$0x0] =	sbarrier.arrive $0xFFFF  }
0xe1: {  	_ =	strace $0x9000004A  }
0xe2: {  	s0 =	stileid.u32;
	[bflag:$0x2] =	sbarrier.arrive $0xFFFF  }
0xe3: {  	p0 =	sne.s32 s0, $0x0;
	s0 =	rddreg [dreg:$0x2]  }
0xe4: {  	s0 =	sadd.s32 @!p0 $0x100000, s0  }
0xe5: {  	[sflag:s0] =	ssyncadd.tile.s32 @!p0 $0x1;
	_ =	shalt  }
.Lfunc_end2:
_tile_overlayer_lowered:
.L_overlay_start_2:
0xe6: {  	(tag) =	ssettag $0x2  }
0xe7: {  	s0 =	rddreg [dreg:$0x0];
	s2 =	stileid.u32  }
0xe8: {  	s1 =	rddreg [dreg:$0x1];
	p0 =	sne.s32 s2, $0x0  }
0xe9: {  	s3 =	rddreg [dreg:$0x2];
	[bflag:$0x3] =	sbarrier.arrive $0xFFFF;
	s2 =	simm.s32 @!p0 $0x1C05  }
0xea: {  	[timem:s3], [sflag:s2] =	dma.local @!p0 [hbm:s0], s1  }
0xeb: {  	s0 =	simm.s32 @!p0 $0x5  }
0xec: {  	_ =	swait.ge @!p0 [sflag:s0], s1  }
0xed: {  	s1 =	ssub.s32 @!p0 $0x0, s1;
	[sflag:s0] =	ssyncset.done @!p0 $0x0  }
0xee: {  	[sflag:s0] =	ssyncadd.s32 @!p0 s1  }
0xef: {  	[bflag:$0x3] =	sbarrier.arrive $0xFFFF  }
0xf0: {  	_ =	shalt  }

</sc_bundles>
